<compile_context>
chip_gen: v7x
topology: tpu7x:2x2x1
jax: 0.10.2.dev20260603
libtpu: 0.0.44.dev20260713+nightly
codegen_flags: <defaults>
</compile_context>

<pallas_src>
import functools

import jax
import jax.numpy as jnp
from jax import lax
from jax.experimental import pallas as pl
from jax.experimental.pallas import tpu as pltpu
from jax.experimental.pallas import tpu_sc as plsc

N = 10000
E = 320000
D = 128

NC = 2
NS = 16
NW = NC * NS
EPT = E // NW
CHUNK = 80
NCH = EPT // CHUNK
SLAB = 624
REM = N - NS * SLAB


def _segsum_body(g_hbm, srcf_hbm, dstf_hbm, out_hbm, agg_sh, sidx, didx,
                 rows0, rows1, rows2, gsem0, gsem1, gsem2,
                 ssem0, ssem1, ssem2, isem):
    rows = (rows0, rows1, rows2)
    gsems = (gsem0, gsem1, gsem2)
    ssems = (ssem0, ssem1, ssem2)
    c = lax.axis_index("c")
    s = lax.axis_index("s")
    wid = c * NS + s
    base = wid * EPT

    sd = pltpu.async_copy(srcf_hbm.at[pl.ds(base, EPT)], sidx, isem)
    dd = pltpu.async_copy(dstf_hbm.at[pl.ds(base, EPT)], didx, isem)

    zero16 = jnp.zeros((16,), jnp.float32)

    def zfill(i, carry):
        for k in range(D // 16):
            rows0[i, pl.ds(k * 16, 16)] = zero16
        return carry

    lax.fori_loop(0, CHUNK, zfill, 0)
    for q in range(SLAB // CHUNK):
        pltpu.sync_copy(rows0, agg_sh.at[pl.ds(s * SLAB + q * CHUNK, CHUNK)])
    zrem = SLAB - (SLAB // CHUNK) * CHUNK
    pltpu.sync_copy(rows0.at[pl.ds(0, zrem)],
                    agg_sh.at[pl.ds(s * SLAB + SLAB - zrem, zrem)])

    @pl.when(s == NS - 1)
    def _zero_rem():
        pltpu.sync_copy(rows0.at[pl.ds(0, REM)],
                        agg_sh.at[pl.ds(NS * SLAB, REM)])

    def fire_gather(j, b):
        pltpu.async_copy(g_hbm.at[sidx.at[pl.ds(j * CHUNK, CHUNK)]],
                         rows[b], gsems[b])

    def wait_gather(j, b):
        pltpu.make_async_copy(g_hbm.at[sidx.at[pl.ds(j * CHUNK, CHUNK)]],
                              rows[b], gsems[b]).wait()

    def fire_scatter(j, b):
        pltpu.async_copy(rows[b], agg_sh.at[didx.at[pl.ds(j * CHUNK, CHUNK)]],
                         ssems[b], add=True)

    def wait_scatter(j, b):
        pltpu.make_async_copy(rows[b],
                              agg_sh.at[didx.at[pl.ds(j * CHUNK, CHUNK)]],
                              ssems[b]).wait()

    sd.wait()
    fire_gather(0, 0)
    fire_gather(1, 1)
    fire_gather(2, 2)
    dd.wait()
    plsc.subcore_barrier()
    wait_gather(0, 0)
    fire_scatter(0, 0)

    def steady(g, carry):
        jb = 3 * g + 1
        for k in range(3):
            j = jb + k
            b = (1 + k) % 3
            wait_gather(j, b)
            fire_scatter(j, b)
            wait_scatter(j - 1, k % 3)
            fire_gather(j + 2, k % 3)
        return carry

    lax.fori_loop(0, 40, steady, 0)
    for j in range(121, 123):
        b = j % 3
        wait_gather(j, b)
        fire_scatter(j, b)
        wait_scatter(j - 1, (j - 1) % 3)
        fire_gather(j + 2, (j - 1) % 3)
    for j in range(123, 125):
        b = j % 3
        wait_gather(j, b)
        fire_scatter(j, b)
        wait_scatter(j - 1, (j - 1) % 3)
    wait_scatter(NCH - 1, (NCH - 1) % 3)
    plsc.subcore_barrier()

    pltpu.sync_copy(agg_sh.at[pl.ds(s * SLAB, SLAB)],
                    out_hbm.at[c, pl.ds(s * SLAB, SLAB)])

    @pl.when(s == NS - 1)
    def _drain_rem():
        pltpu.sync_copy(agg_sh.at[pl.ds(NS * SLAB, REM)],
                        out_hbm.at[c, pl.ds(NS * SLAB, REM)])


def _make_segsum():
    mesh = plsc.VectorSubcoreMesh(core_axis_name="c", subcore_axis_name="s")
    scratch = [
        pltpu.VMEM_SHARED((N, D), jnp.float32),
        pltpu.VMEM((EPT,), jnp.int32),
        pltpu.VMEM((EPT,), jnp.int32),
        pltpu.VMEM((CHUNK, D), jnp.float32),
        pltpu.VMEM((CHUNK, D), jnp.float32),
        pltpu.VMEM((CHUNK, D), jnp.float32),
    ] + [pltpu.SemaphoreType.DMA] * 7
    return pl.kernel(
        _segsum_body,
        out_type=jax.ShapeDtypeStruct((NC, N, D), jnp.float32),
        mesh=mesh,
        scratch_types=scratch,
    )


def _cmm_body(scale_ref, h_ref, agg_ref, w_ref, b_ref, o_ref):
    z = scale_ref[0] * h_ref[...] + agg_ref[0] + agg_ref[1]
    o_ref[...] = lax.dot_general(
        z, w_ref[...], (((1,), (1,)), ((), ())),
        preferred_element_type=jnp.float32) + b_ref[...][None, :]


def _cmm(scale, h, agg, w, b):
    return pl.pallas_call(
        _cmm_body,
        grid=(10,),
        in_specs=[
            pl.BlockSpec(memory_space=pltpu.SMEM),
            pl.BlockSpec((N // 10, D), lambda i: (i, 0)),
            pl.BlockSpec((NC, N // 10, D), lambda i: (0, i, 0)),
            pl.BlockSpec((D, D), lambda i: (0, 0)),
            pl.BlockSpec((D,), lambda i: (0,)),
        ],
        out_specs=pl.BlockSpec((N // 10, D), lambda i: (i, 0)),
        out_shape=jax.ShapeDtypeStruct((N, D), jnp.float32),
    )(scale, h, agg, w, b)


_segsum = _make_segsum()


def kernel(feats, edge_index, W1, b1, W2, b2, eps1, eps2):
    srcf = edge_index[0]
    dstf = edge_index[1]
    scale1 = (1.0 + eps1).reshape(1)
    scale2 = (1.0 + eps2).reshape(1)
    aggf = _segsum(feats, srcf, dstf)
    h1 = _cmm(scale1, feats, aggf, W1, b1)
    aggh = _segsum(h1, srcf, dstf)
    return _cmm(scale2, h1, aggh, W2, b2)

# --- scband reference (transcript-rebuilt; emitter-appended) ---
"""Pipeline reference for scband-gnn-12000138625510 (READ-ONLY COPY).

The authoritative reference and input builder live on the scoring server;
editing this copy changes nothing except your own understanding.
"""

import jax, jax.numpy as jnp
import numpy as np

N = 10000
E = 320000
D_IN = 128
D_HID = 128


def setup_inputs(seed: int = 0) -> dict:
    key = jax.random.key(seed)
    k1, k2, k3, k4, k5, k6 = jax.random.split(key, 6)
    feats = jax.random.normal(k1, (N, D_IN), dtype=jnp.float32)
    edge_index = jax.random.randint(k2, (2, E), 0, N, dtype=jnp.int32)
    s1 = 1.0 / np.sqrt(D_IN)
    s2 = 1.0 / np.sqrt(D_HID)
    W1 = jax.random.uniform(k3, (D_HID, D_IN), dtype=jnp.float32, minval=-s1, maxval=s1)
    b1 = jax.random.uniform(k4, (D_HID,), dtype=jnp.float32, minval=-s1, maxval=s1)
    W2 = jax.random.uniform(k5, (D_HID, D_HID), dtype=jnp.float32, minval=-s2, maxval=s2)
    b2 = jax.random.uniform(k6, (D_HID,), dtype=jnp.float32, minval=-s2, maxval=s2)
    eps1 = jnp.zeros((), dtype=jnp.float32)  # learn_eps=True, init 0
    eps2 = jnp.zeros((), dtype=jnp.float32)
    return {"feats": feats, "edge_index": edge_index, "W1": W1, "b1": b1,
            "W2": W2, "b2": b2, "eps1": eps1, "eps2": eps2}


def _gin_conv(h, src, dst, eps, W, b):
    # GINConv (sum aggregator): h' = apply_func((1+eps)*h + sum_{j in N(i)} h_j)
    msgs = jnp.take(h, src, axis=0)
    agg = jax.ops.segment_sum(msgs, dst, num_segments=N)
    z = (1.0 + eps) * h + agg
    return z @ W.T + b


def reference(feats, edge_index, W1, b1, W2, b2, eps1, eps2):
    src = edge_index[0]
    dst = edge_index[1]
    h = _gin_conv(feats, src, dst, eps1, W1, b1)
    # dropout p=0.0 -> identity
    h = _gin_conv(h, src, dst, eps2, W2, b2)
    return h

if __name__ == "__main__":
    import jax
    _d = setup_inputs()
    print(jax.jit(kernel)(*tuple(_d.values())))

</pallas_src>

<mosaic_0001>
#map = affine_map<(d0, d1) -> (0, 0)>
#map1 = affine_map<(d0, d1) -> (0)>
#map2 = affine_map<(d0, d1) -> (0, 0, 0)>
module attributes {stable_mosaic.version = 14 : i64} {
  func.func @_segsum_body(%arg0: i32, %arg1: i32, %arg2: memref<10000x128xf32, #tpu.memory_space<hbm>>, %arg3: memref<320000xi32, #tpu.memory_space<hbm>>, %arg4: memref<320000xi32, #tpu.memory_space<hbm>>, %arg5: memref<2x10000x128xf32, #tpu.memory_space<hbm>>, %arg6: memref<10000x128xf32, #tpu.memory_space<vmem_shared>>, %arg7: memref<10000xi32, #tpu.memory_space<vmem>>, %arg8: memref<10000xi32, #tpu.memory_space<vmem>>, %arg9: memref<80x128xf32, #tpu.memory_space<vmem>>, %arg10: memref<80x128xf32, #tpu.memory_space<vmem>>, %arg11: memref<80x128xf32, #tpu.memory_space<vmem>>, %arg12: memref<!tpu.dma_semaphore, #tpu.memory_space<semaphore_mem>>, %arg13: memref<!tpu.dma_semaphore, #tpu.memory_space<semaphore_mem>>, %arg14: memref<!tpu.dma_semaphore, #tpu.memory_space<semaphore_mem>>, %arg15: memref<!tpu.dma_semaphore, #tpu.memory_space<semaphore_mem>>, %arg16: memref<!tpu.dma_semaphore, #tpu.memory_space<semaphore_mem>>, %arg17: memref<!tpu.dma_semaphore, #tpu.memory_space<semaphore_mem>>, %arg18: memref<!tpu.dma_semaphore, #tpu.memory_space<semaphore_mem>>) attributes {dimension_semantics = [#tpu.dimension_semantics<core_parallel>, #tpu.dimension_semantics<subcore_parallel>], iteration_bounds = array<i64: 2, 16>, scalar_prefetch = 0 : i64, scratch_operands = 13 : i64, tpu.core_type = #tpu.core_type<sc_vector_subcore>, window_params = [{transform_indices = #map}, {transform_indices = #map1}, {transform_indices = #map1}, {transform_indices = #map2}]} {
    %mul3A = arith.constant 16 : i32
    %mul3A_0 = arith.muli %arg0, %mul3A : i32
    %add3A = arith.addi %mul3A_0, %arg1 : i32
    %mul3A_1 = arith.constant 10000 : i32
    %mul3A_2 = arith.muli %add3A, %mul3A_1 : i32
    %dma_start3A = tpu.memref_slice %arg3[%mul3A_2] : memref<320000xi32, #tpu.memory_space<hbm>> -> memref<10000xi32, #tpu.memory_space<hbm>>
    %dma_start3A_3 = tpu.memref_slice %arg3[%mul3A_2] : memref<320000xi32, #tpu.memory_space<hbm>> -> memref<10000xi32, #tpu.memory_space<hbm>>
    tpu.enqueue_dma source(%dma_start3A_3 : memref<10000xi32, #tpu.memory_space<hbm>>) target(%arg7 : memref<10000xi32, #tpu.memory_space<vmem>>) target_semaphore(%arg18 : memref<!tpu.dma_semaphore, #tpu.memory_space<semaphore_mem>>)
    %dma_start3A_4 = tpu.memref_slice %arg4[%mul3A_2] : memref<320000xi32, #tpu.memory_space<hbm>> -> memref<10000xi32, #tpu.memory_space<hbm>>
    %dma_start3A_5 = tpu.memref_slice %arg4[%mul3A_2] : memref<320000xi32, #tpu.memory_space<hbm>> -> memref<10000xi32, #tpu.memory_space<hbm>>
    tpu.enqueue_dma source(%dma_start3A_5 : memref<10000xi32, #tpu.memory_space<hbm>>) target(%arg8 : memref<10000xi32, #tpu.memory_space<vmem>>) target_semaphore(%arg18 : memref<!tpu.dma_semaphore, #tpu.memory_space<semaphore_mem>>)
    %broadcast_in_dim3A = arith.constant 0.000000e+00 : f32
    %broadcast_in_dim3A_6 = vector.broadcast %broadcast_in_dim3A : f32 to vector<16xf32>
    %scan3A = arith.constant 0 : i32
    %scan3A_7 = arith.constant 0 : i32
    %scan3A_8 = arith.constant 80 : i32
    %scan3A_9 = arith.addi %scan3A_7, %scan3A_8 : i32
    %scan3A_10 = arith.constant 1 : i32
    scf.for %scan3A_166 = %scan3A_7 to %scan3A_9 step %scan3A_10  : i32 {
      %swap3A = arith.index_cast %scan3A_166 : i32 to index
      %swap3A_167 = arith.constant 0 : index
      %swap3A_168 = tpu.vector_load %arg9[%swap3A, %swap3A_167] {strides = array<i32>} : memref<80x128xf32, #tpu.memory_space<vmem>>, vector<1x16xf32>,
      %swap3A_169 = vector.shape_cast %swap3A_168 : vector<1x16xf32> to vector<16xf32>
      %swap3A_170 = vector.shape_cast %broadcast_in_dim3A_6 : vector<16xf32> to vector<1x16xf32>
      tpu.vector_store %arg9[%swap3A, %swap3A_167], %swap3A_170 {strides = array<i32>} : memref<80x128xf32, #tpu.memory_space<vmem>>, vector<1x16xf32>,
      %swap3A_171 = arith.index_cast %scan3A_166 : i32 to index
      %swap3A_172 = arith.constant 16 : index
      %swap3A_173 = tpu.vector_load %arg9[%swap3A_171, %swap3A_172] {strides = array<i32>} : memref<80x128xf32, #tpu.memory_space<vmem>>, vector<1x16xf32>,
      %swap3A_174 = vector.shape_cast %swap3A_173 : vector<1x16xf32> to vector<16xf32>
      %swap3A_175 = vector.shape_cast %broadcast_in_dim3A_6 : vector<16xf32> to vector<1x16xf32>
      tpu.vector_store %arg9[%swap3A_171, %swap3A_172], %swap3A_175 {strides = array<i32>} : memref<80x128xf32, #tpu.memory_space<vmem>>, vector<1x16xf32>,
      %swap3A_176 = arith.index_cast %scan3A_166 : i32 to index
      %swap3A_177 = arith.constant 32 : index
      %swap3A_178 = tpu.vector_load %arg9[%swap3A_176, %swap3A_177] {strides = array<i32>} : memref<80x128xf32, #tpu.memory_space<vmem>>, vector<1x16xf32>,
      %swap3A_179 = vector.shape_cast %swap3A_178 : vector<1x16xf32> to vector<16xf32>
      %swap3A_180 = vector.shape_cast %broadcast_in_dim3A_6 : vector<16xf32> to vector<1x16xf32>
      tpu.vector_store %arg9[%swap3A_176, %swap3A_177], %swap3A_180 {strides = array<i32>} : memref<80x128xf32, #tpu.memory_space<vmem>>, vector<1x16xf32>,
      %swap3A_181 = arith.index_cast %scan3A_166 : i32 to index
      %swap3A_182 = arith.constant 48 : index
      %swap3A_183 = tpu.vector_load %arg9[%swap3A_181, %swap3A_182] {strides = array<i32>} : memref<80x128xf32, #tpu.memory_space<vmem>>, vector<1x16xf32>,
      %swap3A_184 = vector.shape_cast %swap3A_183 : vector<1x16xf32> to vector<16xf32>
      %swap3A_185 = vector.shape_cast %broadcast_in_dim3A_6 : vector<16xf32> to vector<1x16xf32>
      tpu.vector_store %arg9[%swap3A_181, %swap3A_182], %swap3A_185 {strides = array<i32>} : memref<80x128xf32, #tpu.memory_space<vmem>>, vector<1x16xf32>,
      %swap3A_186 = arith.index_cast %scan3A_166 : i32 to index
      %swap3A_187 = arith.constant 64 : index
      %swap3A_188 = tpu.vector_load %arg9[%swap3A_186, %swap3A_187] {strides = array<i32>} : memref<80x128xf32, #tpu.memory_space<vmem>>, vector<1x16xf32>,
      %swap3A_189 = vector.shape_cast %swap3A_188 : vector<1x16xf32> to vector<16xf32>
      %swap3A_190 = vector.shape_cast %broadcast_in_dim3A_6 : vector<16xf32> to vector<1x16xf32>
      tpu.vector_store %arg9[%swap3A_186, %swap3A_187], %swap3A_190 {strides = array<i32>} : memref<80x128xf32, #tpu.memory_space<vmem>>, vector<1x16xf32>,
      %swap3A_191 = arith.index_cast %scan3A_166 : i32 to index
      %swap3A_192 = arith.constant 80 : index
      %swap3A_193 = tpu.vector_load %arg9[%swap3A_191, %swap3A_192] {strides = array<i32>} : memref<80x128xf32, #tpu.memory_space<vmem>>, vector<1x16xf32>,
      %swap3A_194 = vector.shape_cast %swap3A_193 : vector<1x16xf32> to vector<16xf32>
      %swap3A_195 = vector.shape_cast %broadcast_in_dim3A_6 : vector<16xf32> to vector<1x16xf32>
      tpu.vector_store %arg9[%swap3A_191, %swap3A_192], %swap3A_195 {strides = array<i32>} : memref<80x128xf32, #tpu.memory_space<vmem>>, vector<1x16xf32>,
      %swap3A_196 = arith.index_cast %scan3A_166 : i32 to index
      %swap3A_197 = arith.constant 96 : index
      %swap3A_198 = tpu.vector_load %arg9[%swap3A_196, %swap3A_197] {strides = array<i32>} : memref<80x128xf32, #tpu.memory_space<vmem>>, vector<1x16xf32>,
      %swap3A_199 = vector.shape_cast %swap3A_198 : vector<1x16xf32> to vector<16xf32>
      %swap3A_200 = vector.shape_cast %broadcast_in_dim3A_6 : vector<16xf32> to vector<1x16xf32>
      tpu.vector_store %arg9[%swap3A_196, %swap3A_197], %swap3A_200 {strides = array<i32>} : memref<80x128xf32, #tpu.memory_space<vmem>>, vector<1x16xf32>,
      %swap3A_201 = arith.index_cast %scan3A_166 : i32 to index
      %swap3A_202 = arith.constant 112 : index
      %swap3A_203 = tpu.vector_load %arg9[%swap3A_201, %swap3A_202] {strides = array<i32>} : memref<80x128xf32, #tpu.memory_space<vmem>>, vector<1x16xf32>,
      %swap3A_204 = vector.shape_cast %swap3A_203 : vector<1x16xf32> to vector<16xf32>
      %swap3A_205 = vector.shape_cast %broadcast_in_dim3A_6 : vector<16xf32> to vector<1x16xf32>
      tpu.vector_store %arg9[%swap3A_201, %swap3A_202], %swap3A_205 {strides = array<i32>} : memref<80x128xf32, #tpu.memory_space<vmem>>, vector<1x16xf32>,
    }
    %scan3A_11 = arith.constant 80 : i32
    %mul3A_12 = arith.constant 624 : i32
    %mul3A_13 = arith.muli %arg1, %mul3A_12 : i32
    %add3A_14 = arith.constant 0 : i32
    %add3A_15 = arith.addi %mul3A_13, %add3A_14 : i32
    "tpu.region"() ({
      %run_scoped3A = tpu.sem_alloc : memref<!tpu.dma_semaphore, #tpu.memory_space<semaphore_mem>>
      %dma_start3A_166 = arith.constant 0 : i32
      %dma_start3A_167 = tpu.memref_slice %arg6[%add3A_15, %dma_start3A_166] : memref<10000x128xf32, #tpu.memory_space<vmem_shared>> -> memref<80x128xf32, #tpu.memory_space<vmem_shared>>
      %dma_start3A_168 = arith.constant 0 : i32
      %dma_start3A_169 = tpu.memref_slice %arg6[%add3A_15, %dma_start3A_168] : memref<10000x128xf32, #tpu.memory_space<vmem_shared>> -> memref<80x128xf32, #tpu.memory_space<vmem_shared>>
      tpu.enqueue_dma source(%arg9 : memref<80x128xf32, #tpu.memory_space<vmem>>) target(%dma_start3A_169 : memref<80x128xf32, #tpu.memory_space<vmem_shared>>) target_semaphore(%run_scoped3A : memref<!tpu.dma_semaphore, #tpu.memory_space<semaphore_mem>>)
      %dma_wait3A_170 = arith.constant 0 : i32
      %dma_wait3A_171 = tpu.memref_slice %arg6[%add3A_15, %dma_wait3A_170] : memref<10000x128xf32, #tpu.memory_space<vmem_shared>> -> memref<80x128xf32, #tpu.memory_space<vmem_shared>>
      %dma_wait3A_172 = arith.constant 0 : i32
      %dma_wait3A_173 = tpu.memref_slice %arg6[%add3A_15, %dma_wait3A_172] : memref<10000x128xf32, #tpu.memory_space<vmem_shared>> -> memref<80x128xf32, #tpu.memory_space<vmem_shared>>
      tpu.wait_dma2 semaphore(%run_scoped3A : memref<!tpu.dma_semaphore, #tpu.memory_space<semaphore_mem>>) src(%arg9 : memref<80x128xf32, #tpu.memory_space<vmem>>) dst(%dma_wait3A_173 : memref<80x128xf32, #tpu.memory_space<vmem_shared>>)
      tpu.yield
    }) : () -> ()
    %mul3A_16 = arith.constant 624 : i32
    %mul3A_17 = arith.muli %arg1, %mul3A_16 : i32
    %add3A_18 = arith.constant 80 : i32
    %add3A_19 = arith.addi %mul3A_17, %add3A_18 : i32
    "tpu.region"() ({
      %run_scoped3A = tpu.sem_alloc : memref<!tpu.dma_semaphore, #tpu.memory_space<semaphore_mem>>
      %dma_start3A_166 = arith.constant 0 : i32
      %dma_start3A_167 = tpu.memref_slice %arg6[%add3A_19, %dma_start3A_166] : memref<10000x128xf32, #tpu.memory_space<vmem_shared>> -> memref<80x128xf32, #tpu.memory_space<vmem_shared>>
      %dma_start3A_168 = arith.constant 0 : i32
      %dma_start3A_169 = tpu.memref_slice %arg6[%add3A_19, %dma_start3A_168] : memref<10000x128xf32, #tpu.memory_space<vmem_shared>> -> memref<80x128xf32, #tpu.memory_space<vmem_shared>>
      tpu.enqueue_dma source(%arg9 : memref<80x128xf32, #tpu.memory_space<vmem>>) target(%dma_start3A_169 : memref<80x128xf32, #tpu.memory_space<vmem_shared>>) target_semaphore(%run_scoped3A : memref<!tpu.dma_semaphore, #tpu.memory_space<semaphore_mem>>)
      %dma_wait3A_170 = arith.constant 0 : i32
      %dma_wait3A_171 = tpu.memref_slice %arg6[%add3A_19, %dma_wait3A_170] : memref<10000x128xf32, #tpu.memory_space<vmem_shared>> -> memref<80x128xf32, #tpu.memory_space<vmem_shared>>
      %dma_wait3A_172 = arith.constant 0 : i32
      %dma_wait3A_173 = tpu.memref_slice %arg6[%add3A_19, %dma_wait3A_172] : memref<10000x128xf32, #tpu.memory_space<vmem_shared>> -> memref<80x128xf32, #tpu.memory_space<vmem_shared>>
      tpu.wait_dma2 semaphore(%run_scoped3A : memref<!tpu.dma_semaphore, #tpu.memory_space<semaphore_mem>>) src(%arg9 : memref<80x128xf32, #tpu.memory_space<vmem>>) dst(%dma_wait3A_173 : memref<80x128xf32, #tpu.memory_space<vmem_shared>>)
      tpu.yield
    }) : () -> ()
    %mul3A_20 = arith.constant 624 : i32
    %mul3A_21 = arith.muli %arg1, %mul3A_20 : i32
    %add3A_22 = arith.constant 160 : i32
    %add3A_23 = arith.addi %mul3A_21, %add3A_22 : i32
    "tpu.region"() ({
      %run_scoped3A = tpu.sem_alloc : memref<!tpu.dma_semaphore, #tpu.memory_space<semaphore_mem>>
      %dma_start3A_166 = arith.constant 0 : i32
      %dma_start3A_167 = tpu.memref_slice %arg6[%add3A_23, %dma_start3A_166] : memref<10000x128xf32, #tpu.memory_space<vmem_shared>> -> memref<80x128xf32, #tpu.memory_space<vmem_shared>>
      %dma_start3A_168 = arith.constant 0 : i32
      %dma_start3A_169 = tpu.memref_slice %arg6[%add3A_23, %dma_start3A_168] : memref<10000x128xf32, #tpu.memory_space<vmem_shared>> -> memref<80x128xf32, #tpu.memory_space<vmem_shared>>
      tpu.enqueue_dma source(%arg9 : memref<80x128xf32, #tpu.memory_space<vmem>>) target(%dma_start3A_169 : memref<80x128xf32, #tpu.memory_space<vmem_shared>>) target_semaphore(%run_scoped3A : memref<!tpu.dma_semaphore, #tpu.memory_space<semaphore_mem>>)
      %dma_wait3A_170 = arith.constant 0 : i32
      %dma_wait3A_171 = tpu.memref_slice %arg6[%add3A_23, %dma_wait3A_170] : memref<10000x128xf32, #tpu.memory_space<vmem_shared>> -> memref<80x128xf32, #tpu.memory_space<vmem_shared>>
      %dma_wait3A_172 = arith.constant 0 : i32
      %dma_wait3A_173 = tpu.memref_slice %arg6[%add3A_23, %dma_wait3A_172] : memref<10000x128xf32, #tpu.memory_space<vmem_shared>> -> memref<80x128xf32, #tpu.memory_space<vmem_shared>>
      tpu.wait_dma2 semaphore(%run_scoped3A : memref<!tpu.dma_semaphore, #tpu.memory_space<semaphore_mem>>) src(%arg9 : memref<80x128xf32, #tpu.memory_space<vmem>>) dst(%dma_wait3A_173 : memref<80x128xf32, #tpu.memory_space<vmem_shared>>)
      tpu.yield
    }) : () -> ()
    %mul3A_24 = arith.constant 624 : i32
    %mul3A_25 = arith.muli %arg1, %mul3A_24 : i32
    %add3A_26 = arith.constant 240 : i32
    %add3A_27 = arith.addi %mul3A_25, %add3A_26 : i32
    "tpu.region"() ({
      %run_scoped3A = tpu.sem_alloc : memref<!tpu.dma_semaphore, #tpu.memory_space<semaphore_mem>>
      %dma_start3A_166 = arith.constant 0 : i32
      %dma_start3A_167 = tpu.memref_slice %arg6[%add3A_27, %dma_start3A_166] : memref<10000x128xf32, #tpu.memory_space<vmem_shared>> -> memref<80x128xf32, #tpu.memory_space<vmem_shared>>
      %dma_start3A_168 = arith.constant 0 : i32
      %dma_start3A_169 = tpu.memref_slice %arg6[%add3A_27, %dma_start3A_168] : memref<10000x128xf32, #tpu.memory_space<vmem_shared>> -> memref<80x128xf32, #tpu.memory_space<vmem_shared>>
      tpu.enqueue_dma source(%arg9 : memref<80x128xf32, #tpu.memory_space<vmem>>) target(%dma_start3A_169 : memref<80x128xf32, #tpu.memory_space<vmem_shared>>) target_semaphore(%run_scoped3A : memref<!tpu.dma_semaphore, #tpu.memory_space<semaphore_mem>>)
      %dma_wait3A_170 = arith.constant 0 : i32
      %dma_wait3A_171 = tpu.memref_slice %arg6[%add3A_27, %dma_wait3A_170] : memref<10000x128xf32, #tpu.memory_space<vmem_shared>> -> memref<80x128xf32, #tpu.memory_space<vmem_shared>>
      %dma_wait3A_172 = arith.constant 0 : i32
      %dma_wait3A_173 = tpu.memref_slice %arg6[%add3A_27, %dma_wait3A_172] : memref<10000x128xf32, #tpu.memory_space<vmem_shared>> -> memref<80x128xf32, #tpu.memory_space<vmem_shared>>
      tpu.wait_dma2 semaphore(%run_scoped3A : memref<!tpu.dma_semaphore, #tpu.memory_space<semaphore_mem>>) src(%arg9 : memref<80x128xf32, #tpu.memory_space<vmem>>) dst(%dma_wait3A_173 : memref<80x128xf32, #tpu.memory_space<vmem_shared>>)
      tpu.yield
    }) : () -> ()
    %mul3A_28 = arith.constant 624 : i32
    %mul3A_29 = arith.muli %arg1, %mul3A_28 : i32
    %add3A_30 = arith.constant 320 : i32
    %add3A_31 = arith.addi %mul3A_29, %add3A_30 : i32
    "tpu.region"() ({
      %run_scoped3A = tpu.sem_alloc : memref<!tpu.dma_semaphore, #tpu.memory_space<semaphore_mem>>
      %dma_start3A_166 = arith.constant 0 : i32
      %dma_start3A_167 = tpu.memref_slice %arg6[%add3A_31, %dma_start3A_166] : memref<10000x128xf32, #tpu.memory_space<vmem_shared>> -> memref<80x128xf32, #tpu.memory_space<vmem_shared>>
      %dma_start3A_168 = arith.constant 0 : i32
      %dma_start3A_169 = tpu.memref_slice %arg6[%add3A_31, %dma_start3A_168] : memref<10000x128xf32, #tpu.memory_space<vmem_shared>> -> memref<80x128xf32, #tpu.memory_space<vmem_shared>>
      tpu.enqueue_dma source(%arg9 : memref<80x128xf32, #tpu.memory_space<vmem>>) target(%dma_start3A_169 : memref<80x128xf32, #tpu.memory_space<vmem_shared>>) target_semaphore(%run_scoped3A : memref<!tpu.dma_semaphore, #tpu.memory_space<semaphore_mem>>)
      %dma_wait3A_170 = arith.constant 0 : i32
      %dma_wait3A_171 = tpu.memref_slice %arg6[%add3A_31, %dma_wait3A_170] : memref<10000x128xf32, #tpu.memory_space<vmem_shared>> -> memref<80x128xf32, #tpu.memory_space<vmem_shared>>
      %dma_wait3A_172 = arith.constant 0 : i32
      %dma_wait3A_173 = tpu.memref_slice %arg6[%add3A_31, %dma_wait3A_172] : memref<10000x128xf32, #tpu.memory_space<vmem_shared>> -> memref<80x128xf32, #tpu.memory_space<vmem_shared>>
      tpu.wait_dma2 semaphore(%run_scoped3A : memref<!tpu.dma_semaphore, #tpu.memory_space<semaphore_mem>>) src(%arg9 : memref<80x128xf32, #tpu.memory_space<vmem>>) dst(%dma_wait3A_173 : memref<80x128xf32, #tpu.memory_space<vmem_shared>>)
      tpu.yield
    }) : () -> ()
    %mul3A_32 = arith.constant 624 : i32
    %mul3A_33 = arith.muli %arg1, %mul3A_32 : i32
    %add3A_34 = arith.constant 400 : i32
    %add3A_35 = arith.addi %mul3A_33, %add3A_34 : i32
    "tpu.region"() ({
      %run_scoped3A = tpu.sem_alloc : memref<!tpu.dma_semaphore, #tpu.memory_space<semaphore_mem>>
      %dma_start3A_166 = arith.constant 0 : i32
      %dma_start3A_167 = tpu.memref_slice %arg6[%add3A_35, %dma_start3A_166] : memref<10000x128xf32, #tpu.memory_space<vmem_shared>> -> memref<80x128xf32, #tpu.memory_space<vmem_shared>>
      %dma_start3A_168 = arith.constant 0 : i32
      %dma_start3A_169 = tpu.memref_slice %arg6[%add3A_35, %dma_start3A_168] : memref<10000x128xf32, #tpu.memory_space<vmem_shared>> -> memref<80x128xf32, #tpu.memory_space<vmem_shared>>
      tpu.enqueue_dma source(%arg9 : memref<80x128xf32, #tpu.memory_space<vmem>>) target(%dma_start3A_169 : memref<80x128xf32, #tpu.memory_space<vmem_shared>>) target_semaphore(%run_scoped3A : memref<!tpu.dma_semaphore, #tpu.memory_space<semaphore_mem>>)
      %dma_wait3A_170 = arith.constant 0 : i32
      %dma_wait3A_171 = tpu.memref_slice %arg6[%add3A_35, %dma_wait3A_170] : memref<10000x128xf32, #tpu.memory_space<vmem_shared>> -> memref<80x128xf32, #tpu.memory_space<vmem_shared>>
      %dma_wait3A_172 = arith.constant 0 : i32
      %dma_wait3A_173 = tpu.memref_slice %arg6[%add3A_35, %dma_wait3A_172] : memref<10000x128xf32, #tpu.memory_space<vmem_shared>> -> memref<80x128xf32, #tpu.memory_space<vmem_shared>>
      tpu.wait_dma2 semaphore(%run_scoped3A : memref<!tpu.dma_semaphore, #tpu.memory_space<semaphore_mem>>) src(%arg9 : memref<80x128xf32, #tpu.memory_space<vmem>>) dst(%dma_wait3A_173 : memref<80x128xf32, #tpu.memory_space<vmem_shared>>)
      tpu.yield
    }) : () -> ()
    %mul3A_36 = arith.constant 624 : i32
    %mul3A_37 = arith.muli %arg1, %mul3A_36 : i32
    %add3A_38 = arith.constant 480 : i32
    %add3A_39 = arith.addi %mul3A_37, %add3A_38 : i32
    "tpu.region"() ({
      %run_scoped3A = tpu.sem_alloc : memref<!tpu.dma_semaphore, #tpu.memory_space<semaphore_mem>>
      %dma_start3A_166 = arith.constant 0 : i32
      %dma_start3A_167 = tpu.memref_slice %arg6[%add3A_39, %dma_start3A_166] : memref<10000x128xf32, #tpu.memory_space<vmem_shared>> -> memref<80x128xf32, #tpu.memory_space<vmem_shared>>
      %dma_start3A_168 = arith.constant 0 : i32
      %dma_start3A_169 = tpu.memref_slice %arg6[%add3A_39, %dma_start3A_168] : memref<10000x128xf32, #tpu.memory_space<vmem_shared>> -> memref<80x128xf32, #tpu.memory_space<vmem_shared>>
      tpu.enqueue_dma source(%arg9 : memref<80x128xf32, #tpu.memory_space<vmem>>) target(%dma_start3A_169 : memref<80x128xf32, #tpu.memory_space<vmem_shared>>) target_semaphore(%run_scoped3A : memref<!tpu.dma_semaphore, #tpu.memory_space<semaphore_mem>>)
      %dma_wait3A_170 = arith.constant 0 : i32
      %dma_wait3A_171 = tpu.memref_slice %arg6[%add3A_39, %dma_wait3A_170] : memref<10000x128xf32, #tpu.memory_space<vmem_shared>> -> memref<80x128xf32, #tpu.memory_space<vmem_shared>>
      %dma_wait3A_172 = arith.constant 0 : i32
      %dma_wait3A_173 = tpu.memref_slice %arg6[%add3A_39, %dma_wait3A_172] : memref<10000x128xf32, #tpu.memory_space<vmem_shared>> -> memref<80x128xf32, #tpu.memory_space<vmem_shared>>
      tpu.wait_dma2 semaphore(%run_scoped3A : memref<!tpu.dma_semaphore, #tpu.memory_space<semaphore_mem>>) src(%arg9 : memref<80x128xf32, #tpu.memory_space<vmem>>) dst(%dma_wait3A_173 : memref<80x128xf32, #tpu.memory_space<vmem_shared>>)
      tpu.yield
    }) : () -> ()
    %mul3A_40 = arith.constant 624 : i32
    %mul3A_41 = arith.muli %arg1, %mul3A_40 : i32
    %add3A_42 = arith.constant 624 : i32
    %add3A_43 = arith.addi %mul3A_41, %add3A_42 : i32
    %sub3A = arith.constant 64 : i32
    %sub3A_44 = arith.subi %add3A_43, %sub3A : i32
    "tpu.region"() ({
      %run_scoped3A = tpu.sem_alloc : memref<!tpu.dma_semaphore, #tpu.memory_space<semaphore_mem>>
      %dma_start3A_166 = arith.constant 0 : i32
      %dma_start3A_167 = arith.constant 0 : i32
      %dma_start3A_168 = tpu.memref_slice %arg9[%dma_start3A_166, %dma_start3A_167] : memref<80x128xf32, #tpu.memory_space<vmem>> -> memref<64x128xf32, #tpu.memory_space<vmem>>
      %dma_start3A_169 = arith.constant 0 : i32
      %dma_start3A_170 = tpu.memref_slice %arg6[%sub3A_44, %dma_start3A_169] : memref<10000x128xf32, #tpu.memory_space<vmem_shared>> -> memref<64x128xf32, #tpu.memory_space<vmem_shared>>
      %dma_start3A_171 = arith.constant 0 : i32
      %dma_start3A_172 = tpu.memref_slice %arg6[%sub3A_44, %dma_start3A_171] : memref<10000x128xf32, #tpu.memory_space<vmem_shared>> -> memref<64x128xf32, #tpu.memory_space<vmem_shared>>
      %dma_start3A_173 = arith.constant 0 : i32
      %dma_start3A_174 = arith.constant 0 : i32
      %dma_start3A_175 = tpu.memref_slice %arg9[%dma_start3A_173, %dma_start3A_174] : memref<80x128xf32, #tpu.memory_space<vmem>> -> memref<64x128xf32, #tpu.memory_space<vmem>>
      tpu.enqueue_dma source(%dma_start3A_175 : memref<64x128xf32, #tpu.memory_space<vmem>>) target(%dma_start3A_172 : memref<64x128xf32, #tpu.memory_space<vmem_shared>>) target_semaphore(%run_scoped3A : memref<!tpu.dma_semaphore, #tpu.memory_space<semaphore_mem>>)
      %dma_wait3A_176 = arith.constant 0 : i32
      %dma_wait3A_177 = arith.constant 0 : i32
      %dma_wait3A_178 = tpu.memref_slice %arg9[%dma_wait3A_176, %dma_wait3A_177] : memref<80x128xf32, #tpu.memory_space<vmem>> -> memref<64x128xf32, #tpu.memory_space<vmem>>
      %dma_wait3A_179 = arith.constant 0 : i32
      %dma_wait3A_180 = tpu.memref_slice %arg6[%sub3A_44, %dma_wait3A_179] : memref<10000x128xf32, #tpu.memory_space<vmem_shared>> -> memref<64x128xf32, #tpu.memory_space<vmem_shared>>
      %dma_wait3A_181 = arith.constant 0 : i32
      %dma_wait3A_182 = tpu.memref_slice %arg6[%sub3A_44, %dma_wait3A_181] : memref<10000x128xf32, #tpu.memory_space<vmem_shared>> -> memref<64x128xf32, #tpu.memory_space<vmem_shared>>
      %dma_wait3A_183 = arith.constant 0 : i32
      %dma_wait3A_184 = arith.constant 0 : i32
      %dma_wait3A_185 = tpu.memref_slice %arg9[%dma_wait3A_183, %dma_wait3A_184] : memref<80x128xf32, #tpu.memory_space<vmem>> -> memref<64x128xf32, #tpu.memory_space<vmem>>
      tpu.wait_dma2 semaphore(%run_scoped3A : memref<!tpu.dma_semaphore, #tpu.memory_space<semaphore_mem>>) src(%dma_wait3A_185 : memref<64x128xf32, #tpu.memory_space<vmem>>) dst(%dma_wait3A_182 : memref<64x128xf32, #tpu.memory_space<vmem_shared>>)
      tpu.yield
    }) : () -> ()
    %eq3A = arith.constant 15 : i32
    %eq3A_45 = arith.cmpi eq, %arg1, %eq3A : i32
    %convert_element_type3A = arith.extui %eq3A_45 : i1 to i32
    %cond3A = arith.constant 0 : i32
    %cond3A_46 = arith.cmpi ne, %convert_element_type3A, %cond3A : i32
    scf.if %cond3A_46 {
      "tpu.region"() ({
        %run_scoped3A = tpu.sem_alloc : memref<!tpu.dma_semaphore, #tpu.memory_space<semaphore_mem>>
        %dma_start3A_166 = arith.constant 0 : i32
        %dma_start3A_167 = arith.constant 0 : i32
        %dma_start3A_168 = tpu.memref_slice %arg9[%dma_start3A_166, %dma_start3A_167] : memref<80x128xf32, #tpu.memory_space<vmem>> -> memref<16x128xf32, #tpu.memory_space<vmem>>
        %dma_start3A_169 = arith.constant 9984 : i32
        %dma_start3A_170 = arith.constant 0 : i32
        %dma_start3A_171 = tpu.memref_slice %arg6[%dma_start3A_169, %dma_start3A_170] : memref<10000x128xf32, #tpu.memory_space<vmem_shared>> -> memref<16x128xf32, #tpu.memory_space<vmem_shared>>
        %dma_start3A_172 = arith.constant 9984 : i32
        %dma_start3A_173 = arith.constant 0 : i32
        %dma_start3A_174 = tpu.memref_slice %arg6[%dma_start3A_172, %dma_start3A_173] : memref<10000x128xf32, #tpu.memory_space<vmem_shared>> -> memref<16x128xf32, #tpu.memory_space<vmem_shared>>
        %dma_start3A_175 = arith.constant 0 : i32
        %dma_start3A_176 = arith.constant 0 : i32
        %dma_start3A_177 = tpu.memref_slice %arg9[%dma_start3A_175, %dma_start3A_176] : memref<80x128xf32, #tpu.memory_space<vmem>> -> memref<16x128xf32, #tpu.memory_space<vmem>>
        tpu.enqueue_dma source(%dma_start3A_177 : memref<16x128xf32, #tpu.memory_space<vmem>>) target(%dma_start3A_174 : memref<16x128xf32, #tpu.memory_space<vmem_shared>>) target_semaphore(%run_scoped3A : memref<!tpu.dma_semaphore, #tpu.memory_space<semaphore_mem>>)
        %dma_wait3A_178 = arith.constant 0 : i32
        %dma_wait3A_179 = arith.constant 0 : i32
        %dma_wait3A_180 = tpu.memref_slice %arg9[%dma_wait3A_178, %dma_wait3A_179] : memref<80x128xf32, #tpu.memory_space<vmem>> -> memref<16x128xf32, #tpu.memory_space<vmem>>
        %dma_wait3A_181 = arith.constant 9984 : i32
        %dma_wait3A_182 = arith.constant 0 : i32
        %dma_wait3A_183 = tpu.memref_slice %arg6[%dma_wait3A_181, %dma_wait3A_182] : memref<10000x128xf32, #tpu.memory_space<vmem_shared>> -> memref<16x128xf32, #tpu.memory_space<vmem_shared>>
        %dma_wait3A_184 = arith.constant 9984 : i32
        %dma_wait3A_185 = arith.constant 0 : i32
        %dma_wait3A_186 = tpu.memref_slice %arg6[%dma_wait3A_184, %dma_wait3A_185] : memref<10000x128xf32, #tpu.memory_space<vmem_shared>> -> memref<16x128xf32, #tpu.memory_space<vmem_shared>>
        %dma_wait3A_187 = arith.constant 0 : i32
        %dma_wait3A_188 = arith.constant 0 : i32
        %dma_wait3A_189 = tpu.memref_slice %arg9[%dma_wait3A_187, %dma_wait3A_188] : memref<80x128xf32, #tpu.memory_space<vmem>> -> memref<16x128xf32, #tpu.memory_space<vmem>>
        tpu.wait_dma2 semaphore(%run_scoped3A : memref<!tpu.dma_semaphore, #tpu.memory_space<semaphore_mem>>) src(%dma_wait3A_189 : memref<16x128xf32, #tpu.memory_space<vmem>>) dst(%dma_wait3A_186 : memref<16x128xf32, #tpu.memory_space<vmem_shared>>)
        tpu.yield
      }) : () -> ()
    } else {
    }
    %dma_wait3A = tpu.memref_slice %arg3[%mul3A_2] : memref<320000xi32, #tpu.memory_space<hbm>> -> memref<10000xi32, #tpu.memory_space<hbm>>
    %dma_wait3A_47 = tpu.memref_slice %arg3[%mul3A_2] : memref<320000xi32, #tpu.memory_space<hbm>> -> memref<10000xi32, #tpu.memory_space<hbm>>
    tpu.wait_dma2 semaphore(%arg18 : memref<!tpu.dma_semaphore, #tpu.memory_space<semaphore_mem>>) src(%dma_wait3A_47 : memref<10000xi32, #tpu.memory_space<hbm>>) dst(%arg7 : memref<10000xi32, #tpu.memory_space<vmem>>)
    %dma_start3A_48 = arith.constant 0 : i32
    %dma_start3A_49 = tpu.memref_slice %arg7[%dma_start3A_48] : memref<10000xi32, #tpu.memory_space<vmem>> -> memref<80xi32, #tpu.memory_space<vmem>>
    %dma_start3A_50 = arith.constant 0 : i32
    %dma_start3A_51 = arith.constant 0 : i32
    %dma_start3A_52 = tpu.memref_slice %arg2[%dma_start3A_50, %dma_start3A_51] : memref<10000x128xf32, #tpu.memory_space<hbm>> -> memref<10000x128xf32, #tpu.memory_space<hbm>>
    tpu.enqueue_indirect_dma source(%dma_start3A_52 : memref<10000x128xf32, #tpu.memory_space<hbm>>) target(%arg9 : memref<80x128xf32, #tpu.memory_space<vmem>>) offsets(%dma_start3A_49 : memref<80xi32, #tpu.memory_space<vmem>>) semaphore(%arg12 : memref<!tpu.dma_semaphore, #tpu.memory_space<semaphore_mem>>)
    %dma_start3A_53 = arith.constant 80 : i32
    %dma_start3A_54 = tpu.memref_slice %arg7[%dma_start3A_53] : memref<10000xi32, #tpu.memory_space<vmem>> -> memref<80xi32, #tpu.memory_space<vmem>>
    %dma_start3A_55 = arith.constant 0 : i32
    %dma_start3A_56 = arith.constant 0 : i32
    %dma_start3A_57 = tpu.memref_slice %arg2[%dma_start3A_55, %dma_start3A_56] : memref<10000x128xf32, #tpu.memory_space<hbm>> -> memref<10000x128xf32, #tpu.memory_space<hbm>>
    tpu.enqueue_indirect_dma source(%dma_start3A_57 : memref<10000x128xf32, #tpu.memory_space<hbm>>) target(%arg10 : memref<80x128xf32, #tpu.memory_space<vmem>>) offsets(%dma_start3A_54 : memref<80xi32, #tpu.memory_space<vmem>>) semaphore(%arg13 : memref<!tpu.dma_semaphore, #tpu.memory_space<semaphore_mem>>)
    %dma_start3A_58 = arith.constant 160 : i32
    %dma_start3A_59 = tpu.memref_slice %arg7[%dma_start3A_58] : memref<10000xi32, #tpu.memory_space<vmem>> -> memref<80xi32, #tpu.memory_space<vmem>>
    %dma_start3A_60 = arith.constant 0 : i32
    %dma_start3A_61 = arith.constant 0 : i32
    %dma_start3A_62 = tpu.memref_slice %arg2[%dma_start3A_60, %dma_start3A_61] : memref<10000x128xf32, #tpu.memory_space<hbm>> -> memref<10000x128xf32, #tpu.memory_space<hbm>>
    tpu.enqueue_indirect_dma source(%dma_start3A_62 : memref<10000x128xf32, #tpu.memory_space<hbm>>) target(%arg11 : memref<80x128xf32, #tpu.memory_space<vmem>>) offsets(%dma_start3A_59 : memref<80xi32, #tpu.memory_space<vmem>>) semaphore(%arg14 : memref<!tpu.dma_semaphore, #tpu.memory_space<semaphore_mem>>)
    %dma_wait3A_63 = tpu.memref_slice %arg4[%mul3A_2] : memref<320000xi32, #tpu.memory_space<hbm>> -> memref<10000xi32, #tpu.memory_space<hbm>>
    %dma_wait3A_64 = tpu.memref_slice %arg4[%mul3A_2] : memref<320000xi32, #tpu.memory_space<hbm>> -> memref<10000xi32, #tpu.memory_space<hbm>>
    tpu.wait_dma2 semaphore(%arg18 : memref<!tpu.dma_semaphore, #tpu.memory_space<semaphore_mem>>) src(%dma_wait3A_64 : memref<10000xi32, #tpu.memory_space<hbm>>) dst(%arg8 : memref<10000xi32, #tpu.memory_space<vmem>>)
    %barrier3A = arith.constant 0 : index
    tpu.barrier barrier_id(%barrier3A)
    %dma_wait3A_65 = arith.constant 0 : i32
    %dma_wait3A_66 = tpu.memref_slice %arg7[%dma_wait3A_65] : memref<10000xi32, #tpu.memory_space<vmem>> -> memref<80xi32, #tpu.memory_space<vmem>>
    %dma_wait3A_67 = arith.constant 0 : i32
    %dma_wait3A_68 = arith.constant 0 : i32
    %dma_wait3A_69 = tpu.memref_slice %arg2[%dma_wait3A_67, %dma_wait3A_68] : memref<10000x128xf32, #tpu.memory_space<hbm>> -> memref<10000x128xf32, #tpu.memory_space<hbm>>
    tpu.wait_indirect_dma semaphore(%arg12 : memref<!tpu.dma_semaphore, #tpu.memory_space<semaphore_mem>>) src(%dma_wait3A_69 : memref<10000x128xf32, #tpu.memory_space<hbm>>) dst(%arg9 : memref<80x128xf32, #tpu.memory_space<vmem>>)
    %dma_start3A_70 = arith.constant 0 : i32
    %dma_start3A_71 = tpu.memref_slice %arg8[%dma_start3A_70] : memref<10000xi32, #tpu.memory_space<vmem>> -> memref<80xi32, #tpu.memory_space<vmem>>
    %dma_start3A_72 = arith.constant 0 : i32
    %dma_start3A_73 = arith.constant 0 : i32
    %dma_start3A_74 = tpu.memref_slice %arg6[%dma_start3A_72, %dma_start3A_73] : memref<10000x128xf32, #tpu.memory_space<vmem_shared>> -> memref<10000x128xf32, #tpu.memory_space<vmem_shared>>
    tpu.enqueue_indirect_dma source(%arg9 : memref<80x128xf32, #tpu.memory_space<vmem>>) target(%dma_start3A_74 : memref<10000x128xf32, #tpu.memory_space<vmem_shared>>) offsets(%dma_start3A_71 : memref<80xi32, #tpu.memory_space<vmem>>) semaphore(%arg15 : memref<!tpu.dma_semaphore, #tpu.memory_space<semaphore_mem>>) {add = true}
    %scan3A_75 = arith.constant 0 : i32
    %scan3A_76 = arith.constant 0 : i32
    %scan3A_77 = arith.constant 40 : i32
    %scan3A_78 = arith.addi %scan3A_76, %scan3A_77 : i32
    %scan3A_79 = arith.constant 1 : i32
    scf.for %scan3A_166 = %scan3A_76 to %scan3A_78 step %scan3A_79  : i32 {
      %mul3A_167 = arith.constant 3 : i32
      %mul3A_168 = arith.muli %mul3A_167, %scan3A_166 : i32
      %add3A_169 = arith.constant 1 : i32
      %add3A_170 = arith.addi %mul3A_168, %add3A_169 : i32
      %add3A_171 = arith.constant 0 : i32
      %add3A_172 = arith.addi %add3A_170, %add3A_171 : i32
      %mul3A_173 = arith.constant 80 : i32
      %mul3A_174 = arith.muli %add3A_172, %mul3A_173 : i32
      %dma_wait3A_175 = tpu.memref_slice %arg7[%mul3A_174] : memref<10000xi32, #tpu.memory_space<vmem>> -> memref<80xi32, #tpu.memory_space<vmem>>
      %dma_wait3A_176 = arith.constant 0 : i32
      %dma_wait3A_177 = arith.constant 0 : i32
      %dma_wait3A_178 = tpu.memref_slice %arg2[%dma_wait3A_176, %dma_wait3A_177] : memref<10000x128xf32, #tpu.memory_space<hbm>> -> memref<10000x128xf32, #tpu.memory_space<hbm>>
      tpu.wait_indirect_dma semaphore(%arg13 : memref<!tpu.dma_semaphore, #tpu.memory_space<semaphore_mem>>) src(%dma_wait3A_178 : memref<10000x128xf32, #tpu.memory_space<hbm>>) dst(%arg10 : memref<80x128xf32, #tpu.memory_space<vmem>>)
      %mul3A_179 = arith.constant 80 : i32
      %mul3A_180 = arith.muli %add3A_172, %mul3A_179 : i32
      %dma_start3A_181 = tpu.memref_slice %arg8[%mul3A_180] : memref<10000xi32, #tpu.memory_space<vmem>> -> memref<80xi32, #tpu.memory_space<vmem>>
      %dma_start3A_182 = arith.constant 0 : i32
      %dma_start3A_183 = arith.constant 0 : i32
      %dma_start3A_184 = tpu.memref_slice %arg6[%dma_start3A_182, %dma_start3A_183] : memref<10000x128xf32, #tpu.memory_space<vmem_shared>> -> memref<10000x128xf32, #tpu.memory_space<vmem_shared>>
      tpu.enqueue_indirect_dma source(%arg10 : memref<80x128xf32, #tpu.memory_space<vmem>>) target(%dma_start3A_184 : memref<10000x128xf32, #tpu.memory_space<vmem_shared>>) offsets(%dma_start3A_181 : memref<80xi32, #tpu.memory_space<vmem>>) semaphore(%arg16 : memref<!tpu.dma_semaphore, #tpu.memory_space<semaphore_mem>>) {add = true}
      %sub3A_185 = arith.constant 1 : i32
      %sub3A_186 = arith.subi %add3A_172, %sub3A_185 : i32
      %mul3A_187 = arith.constant 80 : i32
      %mul3A_188 = arith.muli %sub3A_186, %mul3A_187 : i32
      %dma_wait3A_189 = tpu.memref_slice %arg8[%mul3A_188] : memref<10000xi32, #tpu.memory_space<vmem>> -> memref<80xi32, #tpu.memory_space<vmem>>
      %dma_wait3A_190 = arith.constant 0 : i32
      %dma_wait3A_191 = arith.constant 0 : i32
      %dma_wait3A_192 = tpu.memref_slice %arg6[%dma_wait3A_190, %dma_wait3A_191] : memref<10000x128xf32, #tpu.memory_space<vmem_shared>> -> memref<10000x128xf32, #tpu.memory_space<vmem_shared>>
      tpu.wait_indirect_dma semaphore(%arg15 : memref<!tpu.dma_semaphore, #tpu.memory_space<semaphore_mem>>) src(%arg9 : memref<80x128xf32, #tpu.memory_space<vmem>>) dst(%dma_wait3A_192 : memref<10000x128xf32, #tpu.memory_space<vmem_shared>>)
      %add3A_193 = arith.constant 2 : i32
      %add3A_194 = arith.addi %add3A_172, %add3A_193 : i32
      %mul3A_195 = arith.constant 80 : i32
      %mul3A_196 = arith.muli %add3A_194, %mul3A_195 : i32
      %dma_start3A_197 = tpu.memref_slice %arg7[%mul3A_196] : memref<10000xi32, #tpu.memory_space<vmem>> -> memref<80xi32, #tpu.memory_space<vmem>>
      %dma_start3A_198 = arith.constant 0 : i32
      %dma_start3A_199 = arith.constant 0 : i32
      %dma_start3A_200 = tpu.memref_slice %arg2[%dma_start3A_198, %dma_start3A_199] : memref<10000x128xf32, #tpu.memory_space<hbm>> -> memref<10000x128xf32, #tpu.memory_space<hbm>>
      tpu.enqueue_indirect_dma source(%dma_start3A_200 : memref<10000x128xf32, #tpu.memory_space<hbm>>) target(%arg9 : memref<80x128xf32, #tpu.memory_space<vmem>>) offsets(%dma_start3A_197 : memref<80xi32, #tpu.memory_space<vmem>>) semaphore(%arg12 : memref<!tpu.dma_semaphore, #tpu.memory_space<semaphore_mem>>)
      %add3A_201 = arith.constant 1 : i32
      %add3A_202 = arith.addi %add3A_170, %add3A_201 : i32
      %mul3A_203 = arith.constant 80 : i32
      %mul3A_204 = arith.muli %add3A_202, %mul3A_203 : i32
      %dma_wait3A_205 = tpu.memref_slice %arg7[%mul3A_204] : memref<10000xi32, #tpu.memory_space<vmem>> -> memref<80xi32, #tpu.memory_space<vmem>>
      %dma_wait3A_206 = arith.constant 0 : i32
      %dma_wait3A_207 = arith.constant 0 : i32
      %dma_wait3A_208 = tpu.memref_slice %arg2[%dma_wait3A_206, %dma_wait3A_207] : memref<10000x128xf32, #tpu.memory_space<hbm>> -> memref<10000x128xf32, #tpu.memory_space<hbm>>
      tpu.wait_indirect_dma semaphore(%arg14 : memref<!tpu.dma_semaphore, #tpu.memory_space<semaphore_mem>>) src(%dma_wait3A_208 : memref<10000x128xf32, #tpu.memory_space<hbm>>) dst(%arg11 : memref<80x128xf32, #tpu.memory_space<vmem>>)
      %mul3A_209 = arith.constant 80 : i32
      %mul3A_210 = arith.muli %add3A_202, %mul3A_209 : i32
      %dma_start3A_211 = tpu.memref_slice %arg8[%mul3A_210] : memref<10000xi32, #tpu.memory_space<vmem>> -> memref<80xi32, #tpu.memory_space<vmem>>
      %dma_start3A_212 = arith.constant 0 : i32
      %dma_start3A_213 = arith.constant 0 : i32
      %dma_start3A_214 = tpu.memref_slice %arg6[%dma_start3A_212, %dma_start3A_213] : memref<10000x128xf32, #tpu.memory_space<vmem_shared>> -> memref<10000x128xf32, #tpu.memory_space<vmem_shared>>
      tpu.enqueue_indirect_dma source(%arg11 : memref<80x128xf32, #tpu.memory_space<vmem>>) target(%dma_start3A_214 : memref<10000x128xf32, #tpu.memory_space<vmem_shared>>) offsets(%dma_start3A_211 : memref<80xi32, #tpu.memory_space<vmem>>) semaphore(%arg17 : memref<!tpu.dma_semaphore, #tpu.memory_space<semaphore_mem>>) {add = true}
      %sub3A_215 = arith.constant 1 : i32
      %sub3A_216 = arith.subi %add3A_202, %sub3A_215 : i32
      %mul3A_217 = arith.constant 80 : i32
      %mul3A_218 = arith.muli %sub3A_216, %mul3A_217 : i32
      %dma_wait3A_219 = tpu.memref_slice %arg8[%mul3A_218] : memref<10000xi32, #tpu.memory_space<vmem>> -> memref<80xi32, #tpu.memory_space<vmem>>
      %dma_wait3A_220 = arith.constant 0 : i32
      %dma_wait3A_221 = arith.constant 0 : i32
      %dma_wait3A_222 = tpu.memref_slice %arg6[%dma_wait3A_220, %dma_wait3A_221] : memref<10000x128xf32, #tpu.memory_space<vmem_shared>> -> memref<10000x128xf32, #tpu.memory_space<vmem_shared>>
      tpu.wait_indirect_dma semaphore(%arg16 : memref<!tpu.dma_semaphore, #tpu.memory_space<semaphore_mem>>) src(%arg10 : memref<80x128xf32, #tpu.memory_space<vmem>>) dst(%dma_wait3A_222 : memref<10000x128xf32, #tpu.memory_space<vmem_shared>>)
      %add3A_223 = arith.constant 2 : i32
      %add3A_224 = arith.addi %add3A_202, %add3A_223 : i32
      %mul3A_225 = arith.constant 80 : i32
      %mul3A_226 = arith.muli %add3A_224, %mul3A_225 : i32
      %dma_start3A_227 = tpu.memref_slice %arg7[%mul3A_226] : memref<10000xi32, #tpu.memory_space<vmem>> -> memref<80xi32, #tpu.memory_space<vmem>>
      %dma_start3A_228 = arith.constant 0 : i32
      %dma_start3A_229 = arith.constant 0 : i32
      %dma_start3A_230 = tpu.memref_slice %arg2[%dma_start3A_228, %dma_start3A_229] : memref<10000x128xf32, #tpu.memory_space<hbm>> -> memref<10000x128xf32, #tpu.memory_space<hbm>>
      tpu.enqueue_indirect_dma source(%dma_start3A_230 : memref<10000x128xf32, #tpu.memory_space<hbm>>) target(%arg10 : memref<80x128xf32, #tpu.memory_space<vmem>>) offsets(%dma_start3A_227 : memref<80xi32, #tpu.memory_space<vmem>>) semaphore(%arg13 : memref<!tpu.dma_semaphore, #tpu.memory_space<semaphore_mem>>)
      %add3A_231 = arith.constant 2 : i32
      %add3A_232 = arith.addi %add3A_170, %add3A_231 : i32
      %mul3A_233 = arith.constant 80 : i32
      %mul3A_234 = arith.muli %add3A_232, %mul3A_233 : i32
      %dma_wait3A_235 = tpu.memref_slice %arg7[%mul3A_234] : memref<10000xi32, #tpu.memory_space<vmem>> -> memref<80xi32, #tpu.memory_space<vmem>>
      %dma_wait3A_236 = arith.constant 0 : i32
      %dma_wait3A_237 = arith.constant 0 : i32
      %dma_wait3A_238 = tpu.memref_slice %arg2[%dma_wait3A_236, %dma_wait3A_237] : memref<10000x128xf32, #tpu.memory_space<hbm>> -> memref<10000x128xf32, #tpu.memory_space<hbm>>
      tpu.wait_indirect_dma semaphore(%arg12 : memref<!tpu.dma_semaphore, #tpu.memory_space<semaphore_mem>>) src(%dma_wait3A_238 : memref<10000x128xf32, #tpu.memory_space<hbm>>) dst(%arg9 : memref<80x128xf32, #tpu.memory_space<vmem>>)
      %mul3A_239 = arith.constant 80 : i32
      %mul3A_240 = arith.muli %add3A_232, %mul3A_239 : i32
      %dma_start3A_241 = tpu.memref_slice %arg8[%mul3A_240] : memref<10000xi32, #tpu.memory_space<vmem>> -> memref<80xi32, #tpu.memory_space<vmem>>
      %dma_start3A_242 = arith.constant 0 : i32
      %dma_start3A_243 = arith.constant 0 : i32
      %dma_start3A_244 = tpu.memref_slice %arg6[%dma_start3A_242, %dma_start3A_243] : memref<10000x128xf32, #tpu.memory_space<vmem_shared>> -> memref<10000x128xf32, #tpu.memory_space<vmem_shared>>
      tpu.enqueue_indirect_dma source(%arg9 : memref<80x128xf32, #tpu.memory_space<vmem>>) target(%dma_start3A_244 : memref<10000x128xf32, #tpu.memory_space<vmem_shared>>) offsets(%dma_start3A_241 : memref<80xi32, #tpu.memory_space<vmem>>) semaphore(%arg15 : memref<!tpu.dma_semaphore, #tpu.memory_space<semaphore_mem>>) {add = true}
      %sub3A_245 = arith.constant 1 : i32
      %sub3A_246 = arith.subi %add3A_232, %sub3A_245 : i32
      %mul3A_247 = arith.constant 80 : i32
      %mul3A_248 = arith.muli %sub3A_246, %mul3A_247 : i32
      %dma_wait3A_249 = tpu.memref_slice %arg8[%mul3A_248] : memref<10000xi32, #tpu.memory_space<vmem>> -> memref<80xi32, #tpu.memory_space<vmem>>
      %dma_wait3A_250 = arith.constant 0 : i32
      %dma_wait3A_251 = arith.constant 0 : i32
      %dma_wait3A_252 = tpu.memref_slice %arg6[%dma_wait3A_250, %dma_wait3A_251] : memref<10000x128xf32, #tpu.memory_space<vmem_shared>> -> memref<10000x128xf32, #tpu.memory_space<vmem_shared>>
      tpu.wait_indirect_dma semaphore(%arg17 : memref<!tpu.dma_semaphore, #tpu.memory_space<semaphore_mem>>) src(%arg11 : memref<80x128xf32, #tpu.memory_space<vmem>>) dst(%dma_wait3A_252 : memref<10000x128xf32, #tpu.memory_space<vmem_shared>>)
      %add3A_253 = arith.constant 2 : i32
      %add3A_254 = arith.addi %add3A_232, %add3A_253 : i32
      %mul3A_255 = arith.constant 80 : i32
      %mul3A_256 = arith.muli %add3A_254, %mul3A_255 : i32
      %dma_start3A_257 = tpu.memref_slice %arg7[%mul3A_256] : memref<10000xi32, #tpu.memory_space<vmem>> -> memref<80xi32, #tpu.memory_space<vmem>>
      %dma_start3A_258 = arith.constant 0 : i32
      %dma_start3A_259 = arith.constant 0 : i32
      %dma_start3A_260 = tpu.memref_slice %arg2[%dma_start3A_258, %dma_start3A_259] : memref<10000x128xf32, #tpu.memory_space<hbm>> -> memref<10000x128xf32, #tpu.memory_space<hbm>>
      tpu.enqueue_indirect_dma source(%dma_start3A_260 : memref<10000x128xf32, #tpu.memory_space<hbm>>) target(%arg11 : memref<80x128xf32, #tpu.memory_space<vmem>>) offsets(%dma_start3A_257 : memref<80xi32, #tpu.memory_space<vmem>>) semaphore(%arg14 : memref<!tpu.dma_semaphore, #tpu.memory_space<semaphore_mem>>)
    }
    %scan3A_80 = arith.constant 40 : i32
    %dma_wait3A_81 = arith.constant 9680 : i32
    %dma_wait3A_82 = tpu.memref_slice %arg7[%dma_wait3A_81] : memref<10000xi32, #tpu.memory_space<vmem>> -> memref<80xi32, #tpu.memory_space<vmem>>
    %dma_wait3A_83 = arith.constant 0 : i32
    %dma_wait3A_84 = arith.constant 0 : i32
    %dma_wait3A_85 = tpu.memref_slice %arg2[%dma_wait3A_83, %dma_wait3A_84] : memref<10000x128xf32, #tpu.memory_space<hbm>> -> memref<10000x128xf32, #tpu.memory_space<hbm>>
    tpu.wait_indirect_dma semaphore(%arg13 : memref<!tpu.dma_semaphore, #tpu.memory_space<semaphore_mem>>) src(%dma_wait3A_85 : memref<10000x128xf32, #tpu.memory_space<hbm>>) dst(%arg10 : memref<80x128xf32, #tpu.memory_space<vmem>>)
    %dma_start3A_86 = arith.constant 9680 : i32
    %dma_start3A_87 = tpu.memref_slice %arg8[%dma_start3A_86] : memref<10000xi32, #tpu.memory_space<vmem>> -> memref<80xi32, #tpu.memory_space<vmem>>
    %dma_start3A_88 = arith.constant 0 : i32
    %dma_start3A_89 = arith.constant 0 : i32
    %dma_start3A_90 = tpu.memref_slice %arg6[%dma_start3A_88, %dma_start3A_89] : memref<10000x128xf32, #tpu.memory_space<vmem_shared>> -> memref<10000x128xf32, #tpu.memory_space<vmem_shared>>
    tpu.enqueue_indirect_dma source(%arg10 : memref<80x128xf32, #tpu.memory_space<vmem>>) target(%dma_start3A_90 : memref<10000x128xf32, #tpu.memory_space<vmem_shared>>) offsets(%dma_start3A_87 : memref<80xi32, #tpu.memory_space<vmem>>) semaphore(%arg16 : memref<!tpu.dma_semaphore, #tpu.memory_space<semaphore_mem>>) {add = true}
    %dma_wait3A_91 = arith.constant 9600 : i32
    %dma_wait3A_92 = tpu.memref_slice %arg8[%dma_wait3A_91] : memref<10000xi32, #tpu.memory_space<vmem>> -> memref<80xi32, #tpu.memory_space<vmem>>
    %dma_wait3A_93 = arith.constant 0 : i32
    %dma_wait3A_94 = arith.constant 0 : i32
    %dma_wait3A_95 = tpu.memref_slice %arg6[%dma_wait3A_93, %dma_wait3A_94] : memref<10000x128xf32, #tpu.memory_space<vmem_shared>> -> memref<10000x128xf32, #tpu.memory_space<vmem_shared>>
    tpu.wait_indirect_dma semaphore(%arg15 : memref<!tpu.dma_semaphore, #tpu.memory_space<semaphore_mem>>) src(%arg9 : memref<80x128xf32, #tpu.memory_space<vmem>>) dst(%dma_wait3A_95 : memref<10000x128xf32, #tpu.memory_space<vmem_shared>>)
    %dma_start3A_96 = arith.constant 9840 : i32
    %dma_start3A_97 = tpu.memref_slice %arg7[%dma_start3A_96] : memref<10000xi32, #tpu.memory_space<vmem>> -> memref<80xi32, #tpu.memory_space<vmem>>
    %dma_start3A_98 = arith.constant 0 : i32
    %dma_start3A_99 = arith.constant 0 : i32
    %dma_start3A_100 = tpu.memref_slice %arg2[%dma_start3A_98, %dma_start3A_99] : memref<10000x128xf32, #tpu.memory_space<hbm>> -> memref<10000x128xf32, #tpu.memory_space<hbm>>
    tpu.enqueue_indirect_dma source(%dma_start3A_100 : memref<10000x128xf32, #tpu.memory_space<hbm>>) target(%arg9 : memref<80x128xf32, #tpu.memory_space<vmem>>) offsets(%dma_start3A_97 : memref<80xi32, #tpu.memory_space<vmem>>) semaphore(%arg12 : memref<!tpu.dma_semaphore, #tpu.memory_space<semaphore_mem>>)
    %dma_wait3A_101 = arith.constant 9760 : i32
    %dma_wait3A_102 = tpu.memref_slice %arg7[%dma_wait3A_101] : memref<10000xi32, #tpu.memory_space<vmem>> -> memref<80xi32, #tpu.memory_space<vmem>>
    %dma_wait3A_103 = arith.constant 0 : i32
    %dma_wait3A_104 = arith.constant 0 : i32
    %dma_wait3A_105 = tpu.memref_slice %arg2[%dma_wait3A_103, %dma_wait3A_104] : memref<10000x128xf32, #tpu.memory_space<hbm>> -> memref<10000x128xf32, #tpu.memory_space<hbm>>
    tpu.wait_indirect_dma semaphore(%arg14 : memref<!tpu.dma_semaphore, #tpu.memory_space<semaphore_mem>>) src(%dma_wait3A_105 : memref<10000x128xf32, #tpu.memory_space<hbm>>) dst(%arg11 : memref<80x128xf32, #tpu.memory_space<vmem>>)
    %dma_start3A_106 = arith.constant 9760 : i32
    %dma_start3A_107 = tpu.memref_slice %arg8[%dma_start3A_106] : memref<10000xi32, #tpu.memory_space<vmem>> -> memref<80xi32, #tpu.memory_space<vmem>>
    %dma_start3A_108 = arith.constant 0 : i32
    %dma_start3A_109 = arith.constant 0 : i32
    %dma_start3A_110 = tpu.memref_slice %arg6[%dma_start3A_108, %dma_start3A_109] : memref<10000x128xf32, #tpu.memory_space<vmem_shared>> -> memref<10000x128xf32, #tpu.memory_space<vmem_shared>>
    tpu.enqueue_indirect_dma source(%arg11 : memref<80x128xf32, #tpu.memory_space<vmem>>) target(%dma_start3A_110 : memref<10000x128xf32, #tpu.memory_space<vmem_shared>>) offsets(%dma_start3A_107 : memref<80xi32, #tpu.memory_space<vmem>>) semaphore(%arg17 : memref<!tpu.dma_semaphore, #tpu.memory_space<semaphore_mem>>) {add = true}
    %dma_wait3A_111 = arith.constant 9680 : i32
    %dma_wait3A_112 = tpu.memref_slice %arg8[%dma_wait3A_111] : memref<10000xi32, #tpu.memory_space<vmem>> -> memref<80xi32, #tpu.memory_space<vmem>>
    %dma_wait3A_113 = arith.constant 0 : i32
    %dma_wait3A_114 = arith.constant 0 : i32
    %dma_wait3A_115 = tpu.memref_slice %arg6[%dma_wait3A_113, %dma_wait3A_114] : memref<10000x128xf32, #tpu.memory_space<vmem_shared>> -> memref<10000x128xf32, #tpu.memory_space<vmem_shared>>
    tpu.wait_indirect_dma semaphore(%arg16 : memref<!tpu.dma_semaphore, #tpu.memory_space<semaphore_mem>>) src(%arg10 : memref<80x128xf32, #tpu.memory_space<vmem>>) dst(%dma_wait3A_115 : memref<10000x128xf32, #tpu.memory_space<vmem_shared>>)
    %dma_start3A_116 = arith.constant 9920 : i32
    %dma_start3A_117 = tpu.memref_slice %arg7[%dma_start3A_116] : memref<10000xi32, #tpu.memory_space<vmem>> -> memref<80xi32, #tpu.memory_space<vmem>>
    %dma_start3A_118 = arith.constant 0 : i32
    %dma_start3A_119 = arith.constant 0 : i32
    %dma_start3A_120 = tpu.memref_slice %arg2[%dma_start3A_118, %dma_start3A_119] : memref<10000x128xf32, #tpu.memory_space<hbm>> -> memref<10000x128xf32, #tpu.memory_space<hbm>>
    tpu.enqueue_indirect_dma source(%dma_start3A_120 : memref<10000x128xf32, #tpu.memory_space<hbm>>) target(%arg10 : memref<80x128xf32, #tpu.memory_space<vmem>>) offsets(%dma_start3A_117 : memref<80xi32, #tpu.memory_space<vmem>>) semaphore(%arg13 : memref<!tpu.dma_semaphore, #tpu.memory_space<semaphore_mem>>)
    %dma_wait3A_121 = arith.constant 9840 : i32
    %dma_wait3A_122 = tpu.memref_slice %arg7[%dma_wait3A_121] : memref<10000xi32, #tpu.memory_space<vmem>> -> memref<80xi32, #tpu.memory_space<vmem>>
    %dma_wait3A_123 = arith.constant 0 : i32
    %dma_wait3A_124 = arith.constant 0 : i32
    %dma_wait3A_125 = tpu.memref_slice %arg2[%dma_wait3A_123, %dma_wait3A_124] : memref<10000x128xf32, #tpu.memory_space<hbm>> -> memref<10000x128xf32, #tpu.memory_space<hbm>>
    tpu.wait_indirect_dma semaphore(%arg12 : memref<!tpu.dma_semaphore, #tpu.memory_space<semaphore_mem>>) src(%dma_wait3A_125 : memref<10000x128xf32, #tpu.memory_space<hbm>>) dst(%arg9 : memref<80x128xf32, #tpu.memory_space<vmem>>)
    %dma_start3A_126 = arith.constant 9840 : i32
    %dma_start3A_127 = tpu.memref_slice %arg8[%dma_start3A_126] : memref<10000xi32, #tpu.memory_space<vmem>> -> memref<80xi32, #tpu.memory_space<vmem>>
    %dma_start3A_128 = arith.constant 0 : i32
    %dma_start3A_129 = arith.constant 0 : i32
    %dma_start3A_130 = tpu.memref_slice %arg6[%dma_start3A_128, %dma_start3A_129] : memref<10000x128xf32, #tpu.memory_space<vmem_shared>> -> memref<10000x128xf32, #tpu.memory_space<vmem_shared>>
    tpu.enqueue_indirect_dma source(%arg9 : memref<80x128xf32, #tpu.memory_space<vmem>>) target(%dma_start3A_130 : memref<10000x128xf32, #tpu.memory_space<vmem_shared>>) offsets(%dma_start3A_127 : memref<80xi32, #tpu.memory_space<vmem>>) semaphore(%arg15 : memref<!tpu.dma_semaphore, #tpu.memory_space<semaphore_mem>>) {add = true}
    %dma_wait3A_131 = arith.constant 9760 : i32
    %dma_wait3A_132 = tpu.memref_slice %arg8[%dma_wait3A_131] : memref<10000xi32, #tpu.memory_space<vmem>> -> memref<80xi32, #tpu.memory_space<vmem>>
    %dma_wait3A_133 = arith.constant 0 : i32
    %dma_wait3A_134 = arith.constant 0 : i32
    %dma_wait3A_135 = tpu.memref_slice %arg6[%dma_wait3A_133, %dma_wait3A_134] : memref<10000x128xf32, #tpu.memory_space<vmem_shared>> -> memref<10000x128xf32, #tpu.memory_space<vmem_shared>>
    tpu.wait_indirect_dma semaphore(%arg17 : memref<!tpu.dma_semaphore, #tpu.memory_space<semaphore_mem>>) src(%arg11 : memref<80x128xf32, #tpu.memory_space<vmem>>) dst(%dma_wait3A_135 : memref<10000x128xf32, #tpu.memory_space<vmem_shared>>)
    %dma_wait3A_136 = arith.constant 9920 : i32
    %dma_wait3A_137 = tpu.memref_slice %arg7[%dma_wait3A_136] : memref<10000xi32, #tpu.memory_space<vmem>> -> memref<80xi32, #tpu.memory_space<vmem>>
    %dma_wait3A_138 = arith.constant 0 : i32
    %dma_wait3A_139 = arith.constant 0 : i32
    %dma_wait3A_140 = tpu.memref_slice %arg2[%dma_wait3A_138, %dma_wait3A_139] : memref<10000x128xf32, #tpu.memory_space<hbm>> -> memref<10000x128xf32, #tpu.memory_space<hbm>>
    tpu.wait_indirect_dma semaphore(%arg13 : memref<!tpu.dma_semaphore, #tpu.memory_space<semaphore_mem>>) src(%dma_wait3A_140 : memref<10000x128xf32, #tpu.memory_space<hbm>>) dst(%arg10 : memref<80x128xf32, #tpu.memory_space<vmem>>)
    %dma_start3A_141 = arith.constant 9920 : i32
    %dma_start3A_142 = tpu.memref_slice %arg8[%dma_start3A_141] : memref<10000xi32, #tpu.memory_space<vmem>> -> memref<80xi32, #tpu.memory_space<vmem>>
    %dma_start3A_143 = arith.constant 0 : i32
    %dma_start3A_144 = arith.constant 0 : i32
    %dma_start3A_145 = tpu.memref_slice %arg6[%dma_start3A_143, %dma_start3A_144] : memref<10000x128xf32, #tpu.memory_space<vmem_shared>> -> memref<10000x128xf32, #tpu.memory_space<vmem_shared>>
    tpu.enqueue_indirect_dma source(%arg10 : memref<80x128xf32, #tpu.memory_space<vmem>>) target(%dma_start3A_145 : memref<10000x128xf32, #tpu.memory_space<vmem_shared>>) offsets(%dma_start3A_142 : memref<80xi32, #tpu.memory_space<vmem>>) semaphore(%arg16 : memref<!tpu.dma_semaphore, #tpu.memory_space<semaphore_mem>>) {add = true}
    %dma_wait3A_146 = arith.constant 9840 : i32
    %dma_wait3A_147 = tpu.memref_slice %arg8[%dma_wait3A_146] : memref<10000xi32, #tpu.memory_space<vmem>> -> memref<80xi32, #tpu.memory_space<vmem>>
    %dma_wait3A_148 = arith.constant 0 : i32
    %dma_wait3A_149 = arith.constant 0 : i32
    %dma_wait3A_150 = tpu.memref_slice %arg6[%dma_wait3A_148, %dma_wait3A_149] : memref<10000x128xf32, #tpu.memory_space<vmem_shared>> -> memref<10000x128xf32, #tpu.memory_space<vmem_shared>>
    tpu.wait_indirect_dma semaphore(%arg15 : memref<!tpu.dma_semaphore, #tpu.memory_space<semaphore_mem>>) src(%arg9 : memref<80x128xf32, #tpu.memory_space<vmem>>) dst(%dma_wait3A_150 : memref<10000x128xf32, #tpu.memory_space<vmem_shared>>)
    %dma_wait3A_151 = arith.constant 9920 : i32
    %dma_wait3A_152 = tpu.memref_slice %arg8[%dma_wait3A_151] : memref<10000xi32, #tpu.memory_space<vmem>> -> memref<80xi32, #tpu.memory_space<vmem>>
    %dma_wait3A_153 = arith.constant 0 : i32
    %dma_wait3A_154 = arith.constant 0 : i32
    %dma_wait3A_155 = tpu.memref_slice %arg6[%dma_wait3A_153, %dma_wait3A_154] : memref<10000x128xf32, #tpu.memory_space<vmem_shared>> -> memref<10000x128xf32, #tpu.memory_space<vmem_shared>>
    tpu.wait_indirect_dma semaphore(%arg16 : memref<!tpu.dma_semaphore, #tpu.memory_space<semaphore_mem>>) src(%arg10 : memref<80x128xf32, #tpu.memory_space<vmem>>) dst(%dma_wait3A_155 : memref<10000x128xf32, #tpu.memory_space<vmem_shared>>)
    %barrier3A_156 = arith.constant 0 : index
    tpu.barrier barrier_id(%barrier3A_156)
    %mul3A_157 = arith.constant 624 : i32
    %mul3A_158 = arith.muli %arg1, %mul3A_157 : i32
    %mul3A_159 = arith.constant 624 : i32
    %mul3A_160 = arith.muli %arg1, %mul3A_159 : i32
    "tpu.region"() ({
      %run_scoped3A = tpu.sem_alloc : memref<!tpu.dma_semaphore, #tpu.memory_space<semaphore_mem>>
      %dma_start3A_166 = arith.constant 0 : i32
      %dma_start3A_167 = tpu.memref_slice %arg5[%arg0, %mul3A_160, %dma_start3A_166] : memref<2x10000x128xf32, #tpu.memory_space<hbm>> -> memref<1x624x128xf32, #tpu.memory_space<hbm>>
      %dma_start3A_168 = tpu.memref_squeeze %dma_start3A_167 : memref<1x624x128xf32, #tpu.memory_space<hbm>> -> memref<624x128xf32, #tpu.memory_space<hbm>>
      %dma_start3A_169 = arith.constant 0 : i32
      %dma_start3A_170 = tpu.memref_slice %arg6[%mul3A_158, %dma_start3A_169] : memref<10000x128xf32, #tpu.memory_space<vmem_shared>> -> memref<624x128xf32, #tpu.memory_space<vmem_shared>>
      tpu.enqueue_dma source(%dma_start3A_170 : memref<624x128xf32, #tpu.memory_space<vmem_shared>>) target(%dma_start3A_168 : memref<624x128xf32, #tpu.memory_space<hbm>>) target_semaphore(%run_scoped3A : memref<!tpu.dma_semaphore, #tpu.memory_space<semaphore_mem>>)
      %dma_wait3A_171 = arith.constant 0 : i32
      %dma_wait3A_172 = tpu.memref_slice %arg5[%arg0, %mul3A_160, %dma_wait3A_171] : memref<2x10000x128xf32, #tpu.memory_space<hbm>> -> memref<1x624x128xf32, #tpu.memory_space<hbm>>
      %dma_wait3A_173 = tpu.memref_squeeze %dma_wait3A_172 : memref<1x624x128xf32, #tpu.memory_space<hbm>> -> memref<624x128xf32, #tpu.memory_space<hbm>>
      %dma_wait3A_174 = arith.constant 0 : i32
      %dma_wait3A_175 = tpu.memref_slice %arg6[%mul3A_158, %dma_wait3A_174] : memref<10000x128xf32, #tpu.memory_space<vmem_shared>> -> memref<624x128xf32, #tpu.memory_space<vmem_shared>>
      tpu.wait_dma2 semaphore(%run_scoped3A : memref<!tpu.dma_semaphore, #tpu.memory_space<semaphore_mem>>) src(%dma_wait3A_175 : memref<624x128xf32, #tpu.memory_space<vmem_shared>>) dst(%dma_wait3A_173 : memref<624x128xf32, #tpu.memory_space<hbm>>)
      tpu.yield
    }) : () -> ()
    %eq3A_161 = arith.constant 15 : i32
    %eq3A_162 = arith.cmpi eq, %arg1, %eq3A_161 : i32
    %convert_element_type3A_163 = arith.extui %eq3A_162 : i1 to i32
    %cond3A_164 = arith.constant 0 : i32
    %cond3A_165 = arith.cmpi ne, %convert_element_type3A_163, %cond3A_164 : i32
    scf.if %cond3A_165 {
      "tpu.region"() ({
        %run_scoped3A = tpu.sem_alloc : memref<!tpu.dma_semaphore, #tpu.memory_space<semaphore_mem>>
        %dma_start3A_166 = arith.constant 9984 : i32
        %dma_start3A_167 = arith.constant 0 : i32
        %dma_start3A_168 = tpu.memref_slice %arg5[%arg0, %dma_start3A_166, %dma_start3A_167] : memref<2x10000x128xf32, #tpu.memory_space<hbm>> -> memref<1x16x128xf32, #tpu.memory_space<hbm>>
        %dma_start3A_169 = tpu.memref_squeeze %dma_start3A_168 : memref<1x16x128xf32, #tpu.memory_space<hbm>> -> memref<16x128xf32, #tpu.memory_space<hbm>>
        %dma_start3A_170 = arith.constant 9984 : i32
        %dma_start3A_171 = arith.constant 0 : i32
        %dma_start3A_172 = tpu.memref_slice %arg6[%dma_start3A_170, %dma_start3A_171] : memref<10000x128xf32, #tpu.memory_space<vmem_shared>> -> memref<16x128xf32, #tpu.memory_space<vmem_shared>>
        tpu.enqueue_dma source(%dma_start3A_172 : memref<16x128xf32, #tpu.memory_space<vmem_shared>>) target(%dma_start3A_169 : memref<16x128xf32, #tpu.memory_space<hbm>>) target_semaphore(%run_scoped3A : memref<!tpu.dma_semaphore, #tpu.memory_space<semaphore_mem>>)
        %dma_wait3A_173 = arith.constant 9984 : i32
        %dma_wait3A_174 = arith.constant 0 : i32
        %dma_wait3A_175 = tpu.memref_slice %arg5[%arg0, %dma_wait3A_173, %dma_wait3A_174] : memref<2x10000x128xf32, #tpu.memory_space<hbm>> -> memref<1x16x128xf32, #tpu.memory_space<hbm>>
        %dma_wait3A_176 = tpu.memref_squeeze %dma_wait3A_175 : memref<1x16x128xf32, #tpu.memory_space<hbm>> -> memref<16x128xf32, #tpu.memory_space<hbm>>
        %dma_wait3A_177 = arith.constant 9984 : i32
        %dma_wait3A_178 = arith.constant 0 : i32
        %dma_wait3A_179 = tpu.memref_slice %arg6[%dma_wait3A_177, %dma_wait3A_178] : memref<10000x128xf32, #tpu.memory_space<vmem_shared>> -> memref<16x128xf32, #tpu.memory_space<vmem_shared>>
        tpu.wait_dma2 semaphore(%run_scoped3A : memref<!tpu.dma_semaphore, #tpu.memory_space<semaphore_mem>>) src(%dma_wait3A_179 : memref<16x128xf32, #tpu.memory_space<vmem_shared>>) dst(%dma_wait3A_176 : memref<16x128xf32, #tpu.memory_space<hbm>>)
        tpu.yield
      }) : () -> ()
    } else {
    }
    return
  }
}

#map = affine_map<(d0, d1) -> (0, 0)>
#map1 = affine_map<(d0, d1) -> (0)>
#map2 = affine_map<(d0, d1) -> (0, 0, 0)>
module attributes {stable_mosaic.version = 14 : i64} {
  func.func @_segsum_body(%arg0: i32, %arg1: i32, %arg2: memref<10000x128xf32, #tpu.memory_space<hbm>>, %arg3: memref<320000xi32, #tpu.memory_space<hbm>>, %arg4: memref<320000xi32, #tpu.memory_space<hbm>>, %arg5: memref<2x10000x128xf32, #tpu.memory_space<hbm>>, %arg6: memref<10000x128xf32, #tpu.memory_space<vmem_shared>>, %arg7: memref<10000xi32, #tpu.memory_space<vmem>>, %arg8: memref<10000xi32, #tpu.memory_space<vmem>>, %arg9: memref<80x128xf32, #tpu.memory_space<vmem>>, %arg10: memref<80x128xf32, #tpu.memory_space<vmem>>, %arg11: memref<80x128xf32, #tpu.memory_space<vmem>>, %arg12: memref<!tpu.dma_semaphore, #tpu.memory_space<semaphore_mem>>, %arg13: memref<!tpu.dma_semaphore, #tpu.memory_space<semaphore_mem>>, %arg14: memref<!tpu.dma_semaphore, #tpu.memory_space<semaphore_mem>>, %arg15: memref<!tpu.dma_semaphore, #tpu.memory_space<semaphore_mem>>, %arg16: memref<!tpu.dma_semaphore, #tpu.memory_space<semaphore_mem>>, %arg17: memref<!tpu.dma_semaphore, #tpu.memory_space<semaphore_mem>>, %arg18: memref<!tpu.dma_semaphore, #tpu.memory_space<semaphore_mem>>) attributes {dimension_semantics = [#tpu.dimension_semantics<core_parallel>, #tpu.dimension_semantics<subcore_parallel>], iteration_bounds = array<i64: 2, 16>, scalar_prefetch = 0 : i64, scratch_operands = 13 : i64, tpu.core_type = #tpu.core_type<sc_vector_subcore>, window_params = [{transform_indices = #map}, {transform_indices = #map1}, {transform_indices = #map1}, {transform_indices = #map2}]} {
    %mul3A = arith.constant 16 : i32
    %mul3A_0 = arith.muli %arg0, %mul3A : i32
    %add3A = arith.addi %mul3A_0, %arg1 : i32
    %mul3A_1 = arith.constant 10000 : i32
    %mul3A_2 = arith.muli %add3A, %mul3A_1 : i32
    %dma_start3A = tpu.memref_slice %arg3[%mul3A_2] : memref<320000xi32, #tpu.memory_space<hbm>> -> memref<10000xi32, #tpu.memory_space<hbm>>
    %dma_start3A_3 = tpu.memref_slice %arg3[%mul3A_2] : memref<320000xi32, #tpu.memory_space<hbm>> -> memref<10000xi32, #tpu.memory_space<hbm>>
    tpu.enqueue_dma source(%dma_start3A_3 : memref<10000xi32, #tpu.memory_space<hbm>>) target(%arg7 : memref<10000xi32, #tpu.memory_space<vmem>>) target_semaphore(%arg18 : memref<!tpu.dma_semaphore, #tpu.memory_space<semaphore_mem>>)
    %dma_start3A_4 = tpu.memref_slice %arg4[%mul3A_2] : memref<320000xi32, #tpu.memory_space<hbm>> -> memref<10000xi32, #tpu.memory_space<hbm>>
    %dma_start3A_5 = tpu.memref_slice %arg4[%mul3A_2] : memref<320000xi32, #tpu.memory_space<hbm>> -> memref<10000xi32, #tpu.memory_space<hbm>>
    tpu.enqueue_dma source(%dma_start3A_5 : memref<10000xi32, #tpu.memory_space<hbm>>) target(%arg8 : memref<10000xi32, #tpu.memory_space<vmem>>) target_semaphore(%arg18 : memref<!tpu.dma_semaphore, #tpu.memory_space<semaphore_mem>>)
    %broadcast_in_dim3A = arith.constant 0.000000e+00 : f32
    %broadcast_in_dim3A_6 = vector.broadcast %broadcast_in_dim3A : f32 to vector<16xf32>
    %scan3A = arith.constant 0 : i32
    %scan3A_7 = arith.constant 0 : i32
    %scan3A_8 = arith.constant 80 : i32
    %scan3A_9 = arith.addi %scan3A_7, %scan3A_8 : i32
    %scan3A_10 = arith.constant 1 : i32
    scf.for %scan3A_166 = %scan3A_7 to %scan3A_9 step %scan3A_10  : i32 {
      %swap3A = arith.index_cast %scan3A_166 : i32 to index
      %swap3A_167 = arith.constant 0 : index
      %swap3A_168 = tpu.vector_load %arg9[%swap3A, %swap3A_167] {strides = array<i32>} : memref<80x128xf32, #tpu.memory_space<vmem>>, vector<1x16xf32>,
      %swap3A_169 = vector.shape_cast %swap3A_168 : vector<1x16xf32> to vector<16xf32>
      %swap3A_170 = vector.shape_cast %broadcast_in_dim3A_6 : vector<16xf32> to vector<1x16xf32>
      tpu.vector_store %arg9[%swap3A, %swap3A_167], %swap3A_170 {strides = array<i32>} : memref<80x128xf32, #tpu.memory_space<vmem>>, vector<1x16xf32>,
      %swap3A_171 = arith.index_cast %scan3A_166 : i32 to index
      %swap3A_172 = arith.constant 16 : index
      %swap3A_173 = tpu.vector_load %arg9[%swap3A_171, %swap3A_172] {strides = array<i32>} : memref<80x128xf32, #tpu.memory_space<vmem>>, vector<1x16xf32>,
      %swap3A_174 = vector.shape_cast %swap3A_173 : vector<1x16xf32> to vector<16xf32>
      %swap3A_175 = vector.shape_cast %broadcast_in_dim3A_6 : vector<16xf32> to vector<1x16xf32>
      tpu.vector_store %arg9[%swap3A_171, %swap3A_172], %swap3A_175 {strides = array<i32>} : memref<80x128xf32, #tpu.memory_space<vmem>>, vector<1x16xf32>,
      %swap3A_176 = arith.index_cast %scan3A_166 : i32 to index
      %swap3A_177 = arith.constant 32 : index
      %swap3A_178 = tpu.vector_load %arg9[%swap3A_176, %swap3A_177] {strides = array<i32>} : memref<80x128xf32, #tpu.memory_space<vmem>>, vector<1x16xf32>,
      %swap3A_179 = vector.shape_cast %swap3A_178 : vector<1x16xf32> to vector<16xf32>
      %swap3A_180 = vector.shape_cast %broadcast_in_dim3A_6 : vector<16xf32> to vector<1x16xf32>
      tpu.vector_store %arg9[%swap3A_176, %swap3A_177], %swap3A_180 {strides = array<i32>} : memref<80x128xf32, #tpu.memory_space<vmem>>, vector<1x16xf32>,
      %swap3A_181 = arith.index_cast %scan3A_166 : i32 to index
      %swap3A_182 = arith.constant 48 : index
      %swap3A_183 = tpu.vector_load %arg9[%swap3A_181, %swap3A_182] {strides = array<i32>} : memref<80x128xf32, #tpu.memory_space<vmem>>, vector<1x16xf32>,
      %swap3A_184 = vector.shape_cast %swap3A_183 : vector<1x16xf32> to vector<16xf32>
      %swap3A_185 = vector.shape_cast %broadcast_in_dim3A_6 : vector<16xf32> to vector<1x16xf32>
      tpu.vector_store %arg9[%swap3A_181, %swap3A_182], %swap3A_185 {strides = array<i32>} : memref<80x128xf32, #tpu.memory_space<vmem>>, vector<1x16xf32>,
      %swap3A_186 = arith.index_cast %scan3A_166 : i32 to index
      %swap3A_187 = arith.constant 64 : index
      %swap3A_188 = tpu.vector_load %arg9[%swap3A_186, %swap3A_187] {strides = array<i32>} : memref<80x128xf32, #tpu.memory_space<vmem>>, vector<1x16xf32>,
      %swap3A_189 = vector.shape_cast %swap3A_188 : vector<1x16xf32> to vector<16xf32>
      %swap3A_190 = vector.shape_cast %broadcast_in_dim3A_6 : vector<16xf32> to vector<1x16xf32>
      tpu.vector_store %arg9[%swap3A_186, %swap3A_187], %swap3A_190 {strides = array<i32>} : memref<80x128xf32, #tpu.memory_space<vmem>>, vector<1x16xf32>,
      %swap3A_191 = arith.index_cast %scan3A_166 : i32 to index
      %swap3A_192 = arith.constant 80 : index
      %swap3A_193 = tpu.vector_load %arg9[%swap3A_191, %swap3A_192] {strides = array<i32>} : memref<80x128xf32, #tpu.memory_space<vmem>>, vector<1x16xf32>,
      %swap3A_194 = vector.shape_cast %swap3A_193 : vector<1x16xf32> to vector<16xf32>
      %swap3A_195 = vector.shape_cast %broadcast_in_dim3A_6 : vector<16xf32> to vector<1x16xf32>
      tpu.vector_store %arg9[%swap3A_191, %swap3A_192], %swap3A_195 {strides = array<i32>} : memref<80x128xf32, #tpu.memory_space<vmem>>, vector<1x16xf32>,
      %swap3A_196 = arith.index_cast %scan3A_166 : i32 to index
      %swap3A_197 = arith.constant 96 : index
      %swap3A_198 = tpu.vector_load %arg9[%swap3A_196, %swap3A_197] {strides = array<i32>} : memref<80x128xf32, #tpu.memory_space<vmem>>, vector<1x16xf32>,
      %swap3A_199 = vector.shape_cast %swap3A_198 : vector<1x16xf32> to vector<16xf32>
      %swap3A_200 = vector.shape_cast %broadcast_in_dim3A_6 : vector<16xf32> to vector<1x16xf32>
      tpu.vector_store %arg9[%swap3A_196, %swap3A_197], %swap3A_200 {strides = array<i32>} : memref<80x128xf32, #tpu.memory_space<vmem>>, vector<1x16xf32>,
      %swap3A_201 = arith.index_cast %scan3A_166 : i32 to index
      %swap3A_202 = arith.constant 112 : index
      %swap3A_203 = tpu.vector_load %arg9[%swap3A_201, %swap3A_202] {strides = array<i32>} : memref<80x128xf32, #tpu.memory_space<vmem>>, vector<1x16xf32>,
      %swap3A_204 = vector.shape_cast %swap3A_203 : vector<1x16xf32> to vector<16xf32>
      %swap3A_205 = vector.shape_cast %broadcast_in_dim3A_6 : vector<16xf32> to vector<1x16xf32>
      tpu.vector_store %arg9[%swap3A_201, %swap3A_202], %swap3A_205 {strides = array<i32>} : memref<80x128xf32, #tpu.memory_space<vmem>>, vector<1x16xf32>,
    }
    %scan3A_11 = arith.constant 80 : i32
    %mul3A_12 = arith.constant 624 : i32
    %mul3A_13 = arith.muli %arg1, %mul3A_12 : i32
    %add3A_14 = arith.constant 0 : i32
    %add3A_15 = arith.addi %mul3A_13, %add3A_14 : i32
    "tpu.region"() ({
      %run_scoped3A = tpu.sem_alloc : memref<!tpu.dma_semaphore, #tpu.memory_space<semaphore_mem>>
      %dma_start3A_166 = arith.constant 0 : i32
      %dma_start3A_167 = tpu.memref_slice %arg6[%add3A_15, %dma_start3A_166] : memref<10000x128xf32, #tpu.memory_space<vmem_shared>> -> memref<80x128xf32, #tpu.memory_space<vmem_shared>>
      %dma_start3A_168 = arith.constant 0 : i32
      %dma_start3A_169 = tpu.memref_slice %arg6[%add3A_15, %dma_start3A_168] : memref<10000x128xf32, #tpu.memory_space<vmem_shared>> -> memref<80x128xf32, #tpu.memory_space<vmem_shared>>
      tpu.enqueue_dma source(%arg9 : memref<80x128xf32, #tpu.memory_space<vmem>>) target(%dma_start3A_169 : memref<80x128xf32, #tpu.memory_space<vmem_shared>>) target_semaphore(%run_scoped3A : memref<!tpu.dma_semaphore, #tpu.memory_space<semaphore_mem>>)
      %dma_wait3A_170 = arith.constant 0 : i32
      %dma_wait3A_171 = tpu.memref_slice %arg6[%add3A_15, %dma_wait3A_170] : memref<10000x128xf32, #tpu.memory_space<vmem_shared>> -> memref<80x128xf32, #tpu.memory_space<vmem_shared>>
      %dma_wait3A_172 = arith.constant 0 : i32
      %dma_wait3A_173 = tpu.memref_slice %arg6[%add3A_15, %dma_wait3A_172] : memref<10000x128xf32, #tpu.memory_space<vmem_shared>> -> memref<80x128xf32, #tpu.memory_space<vmem_shared>>
      tpu.wait_dma2 semaphore(%run_scoped3A : memref<!tpu.dma_semaphore, #tpu.memory_space<semaphore_mem>>) src(%arg9 : memref<80x128xf32, #tpu.memory_space<vmem>>) dst(%dma_wait3A_173 : memref<80x128xf32, #tpu.memory_space<vmem_shared>>)
      tpu.yield
    }) : () -> ()
    %mul3A_16 = arith.constant 624 : i32
    %mul3A_17 = arith.muli %arg1, %mul3A_16 : i32
    %add3A_18 = arith.constant 80 : i32
    %add3A_19 = arith.addi %mul3A_17, %add3A_18 : i32
    "tpu.region"() ({
      %run_scoped3A = tpu.sem_alloc : memref<!tpu.dma_semaphore, #tpu.memory_space<semaphore_mem>>
      %dma_start3A_166 = arith.constant 0 : i32
      %dma_start3A_167 = tpu.memref_slice %arg6[%add3A_19, %dma_start3A_166] : memref<10000x128xf32, #tpu.memory_space<vmem_shared>> -> memref<80x128xf32, #tpu.memory_space<vmem_shared>>
      %dma_start3A_168 = arith.constant 0 : i32
      %dma_start3A_169 = tpu.memref_slice %arg6[%add3A_19, %dma_start3A_168] : memref<10000x128xf32, #tpu.memory_space<vmem_shared>> -> memref<80x128xf32, #tpu.memory_space<vmem_shared>>
      tpu.enqueue_dma source(%arg9 : memref<80x128xf32, #tpu.memory_space<vmem>>) target(%dma_start3A_169 : memref<80x128xf32, #tpu.memory_space<vmem_shared>>) target_semaphore(%run_scoped3A : memref<!tpu.dma_semaphore, #tpu.memory_space<semaphore_mem>>)
      %dma_wait3A_170 = arith.constant 0 : i32
      %dma_wait3A_171 = tpu.memref_slice %arg6[%add3A_19, %dma_wait3A_170] : memref<10000x128xf32, #tpu.memory_space<vmem_shared>> -> memref<80x128xf32, #tpu.memory_space<vmem_shared>>
      %dma_wait3A_172 = arith.constant 0 : i32
      %dma_wait3A_173 = tpu.memref_slice %arg6[%add3A_19, %dma_wait3A_172] : memref<10000x128xf32, #tpu.memory_space<vmem_shared>> -> memref<80x128xf32, #tpu.memory_space<vmem_shared>>
      tpu.wait_dma2 semaphore(%run_scoped3A : memref<!tpu.dma_semaphore, #tpu.memory_space<semaphore_mem>>) src(%arg9 : memref<80x128xf32, #tpu.memory_space<vmem>>) dst(%dma_wait3A_173 : memref<80x128xf32, #tpu.memory_space<vmem_shared>>)
      tpu.yield
    }) : () -> ()
    %mul3A_20 = arith.constant 624 : i32
    %mul3A_21 = arith.muli %arg1, %mul3A_20 : i32
    %add3A_22 = arith.constant 160 : i32
    %add3A_23 = arith.addi %mul3A_21, %add3A_22 : i32
    "tpu.region"() ({
      %run_scoped3A = tpu.sem_alloc : memref<!tpu.dma_semaphore, #tpu.memory_space<semaphore_mem>>
      %dma_start3A_166 = arith.constant 0 : i32
      %dma_start3A_167 = tpu.memref_slice %arg6[%add3A_23, %dma_start3A_166] : memref<10000x128xf32, #tpu.memory_space<vmem_shared>> -> memref<80x128xf32, #tpu.memory_space<vmem_shared>>
      %dma_start3A_168 = arith.constant 0 : i32
      %dma_start3A_169 = tpu.memref_slice %arg6[%add3A_23, %dma_start3A_168] : memref<10000x128xf32, #tpu.memory_space<vmem_shared>> -> memref<80x128xf32, #tpu.memory_space<vmem_shared>>
      tpu.enqueue_dma source(%arg9 : memref<80x128xf32, #tpu.memory_space<vmem>>) target(%dma_start3A_169 : memref<80x128xf32, #tpu.memory_space<vmem_shared>>) target_semaphore(%run_scoped3A : memref<!tpu.dma_semaphore, #tpu.memory_space<semaphore_mem>>)
      %dma_wait3A_170 = arith.constant 0 : i32
      %dma_wait3A_171 = tpu.memref_slice %arg6[%add3A_23, %dma_wait3A_170] : memref<10000x128xf32, #tpu.memory_space<vmem_shared>> -> memref<80x128xf32, #tpu.memory_space<vmem_shared>>
      %dma_wait3A_172 = arith.constant 0 : i32
      %dma_wait3A_173 = tpu.memref_slice %arg6[%add3A_23, %dma_wait3A_172] : memref<10000x128xf32, #tpu.memory_space<vmem_shared>> -> memref<80x128xf32, #tpu.memory_space<vmem_shared>>
      tpu.wait_dma2 semaphore(%run_scoped3A : memref<!tpu.dma_semaphore, #tpu.memory_space<semaphore_mem>>) src(%arg9 : memref<80x128xf32, #tpu.memory_space<vmem>>) dst(%dma_wait3A_173 : memref<80x128xf32, #tpu.memory_space<vmem_shared>>)
      tpu.yield
    }) : () -> ()
    %mul3A_24 = arith.constant 624 : i32
    %mul3A_25 = arith.muli %arg1, %mul3A_24 : i32
    %add3A_26 = arith.constant 240 : i32
    %add3A_27 = arith.addi %mul3A_25, %add3A_26 : i32
    "tpu.region"() ({
      %run_scoped3A = tpu.sem_alloc : memref<!tpu.dma_semaphore, #tpu.memory_space<semaphore_mem>>
      %dma_start3A_166 = arith.constant 0 : i32
      %dma_start3A_167 = tpu.memref_slice %arg6[%add3A_27, %dma_start3A_166] : memref<10000x128xf32, #tpu.memory_space<vmem_shared>> -> memref<80x128xf32, #tpu.memory_space<vmem_shared>>
      %dma_start3A_168 = arith.constant 0 : i32
      %dma_start3A_169 = tpu.memref_slice %arg6[%add3A_27, %dma_start3A_168] : memref<10000x128xf32, #tpu.memory_space<vmem_shared>> -> memref<80x128xf32, #tpu.memory_space<vmem_shared>>
      tpu.enqueue_dma source(%arg9 : memref<80x128xf32, #tpu.memory_space<vmem>>) target(%dma_start3A_169 : memref<80x128xf32, #tpu.memory_space<vmem_shared>>) target_semaphore(%run_scoped3A : memref<!tpu.dma_semaphore, #tpu.memory_space<semaphore_mem>>)
      %dma_wait3A_170 = arith.constant 0 : i32
      %dma_wait3A_171 = tpu.memref_slice %arg6[%add3A_27, %dma_wait3A_170] : memref<10000x128xf32, #tpu.memory_space<vmem_shared>> -> memref<80x128xf32, #tpu.memory_space<vmem_shared>>
      %dma_wait3A_172 = arith.constant 0 : i32
      %dma_wait3A_173 = tpu.memref_slice %arg6[%add3A_27, %dma_wait3A_172] : memref<10000x128xf32, #tpu.memory_space<vmem_shared>> -> memref<80x128xf32, #tpu.memory_space<vmem_shared>>
      tpu.wait_dma2 semaphore(%run_scoped3A : memref<!tpu.dma_semaphore, #tpu.memory_space<semaphore_mem>>) src(%arg9 : memref<80x128xf32, #tpu.memory_space<vmem>>) dst(%dma_wait3A_173 : memref<80x128xf32, #tpu.memory_space<vmem_shared>>)
      tpu.yield
    }) : () -> ()
    %mul3A_28 = arith.constant 624 : i32
    %mul3A_29 = arith.muli %arg1, %mul3A_28 : i32
    %add3A_30 = arith.constant 320 : i32
    %add3A_31 = arith.addi %mul3A_29, %add3A_30 : i32
    "tpu.region"() ({
      %run_scoped3A = tpu.sem_alloc : memref<!tpu.dma_semaphore, #tpu.memory_space<semaphore_mem>>
      %dma_start3A_166 = arith.constant 0 : i32
      %dma_start3A_167 = tpu.memref_slice %arg6[%add3A_31, %dma_start3A_166] : memref<10000x128xf32, #tpu.memory_space<vmem_shared>> -> memref<80x128xf32, #tpu.memory_space<vmem_shared>>
      %dma_start3A_168 = arith.constant 0 : i32
      %dma_start3A_169 = tpu.memref_slice %arg6[%add3A_31, %dma_start3A_168] : memref<10000x128xf32, #tpu.memory_space<vmem_shared>> -> memref<80x128xf32, #tpu.memory_space<vmem_shared>>
      tpu.enqueue_dma source(%arg9 : memref<80x128xf32, #tpu.memory_space<vmem>>) target(%dma_start3A_169 : memref<80x128xf32, #tpu.memory_space<vmem_shared>>) target_semaphore(%run_scoped3A : memref<!tpu.dma_semaphore, #tpu.memory_space<semaphore_mem>>)
      %dma_wait3A_170 = arith.constant 0 : i32
      %dma_wait3A_171 = tpu.memref_slice %arg6[%add3A_31, %dma_wait3A_170] : memref<10000x128xf32, #tpu.memory_space<vmem_shared>> -> memref<80x128xf32, #tpu.memory_space<vmem_shared>>
      %dma_wait3A_172 = arith.constant 0 : i32
      %dma_wait3A_173 = tpu.memref_slice %arg6[%add3A_31, %dma_wait3A_172] : memref<10000x128xf32, #tpu.memory_space<vmem_shared>> -> memref<80x128xf32, #tpu.memory_space<vmem_shared>>
      tpu.wait_dma2 semaphore(%run_scoped3A : memref<!tpu.dma_semaphore, #tpu.memory_space<semaphore_mem>>) src(%arg9 : memref<80x128xf32, #tpu.memory_space<vmem>>) dst(%dma_wait3A_173 : memref<80x128xf32, #tpu.memory_space<vmem_shared>>)
      tpu.yield
    }) : () -> ()
    %mul3A_32 = arith.constant 624 : i32
    %mul3A_33 = arith.muli %arg1, %mul3A_32 : i32
    %add3A_34 = arith.constant 400 : i32
    %add3A_35 = arith.addi %mul3A_33, %add3A_34 : i32
    "tpu.region"() ({
      %run_scoped3A = tpu.sem_alloc : memref<!tpu.dma_semaphore, #tpu.memory_space<semaphore_mem>>
      %dma_start3A_166 = arith.constant 0 : i32
      %dma_start3A_167 = tpu.memref_slice %arg6[%add3A_35, %dma_start3A_166] : memref<10000x128xf32, #tpu.memory_space<vmem_shared>> -> memref<80x128xf32, #tpu.memory_space<vmem_shared>>
      %dma_start3A_168 = arith.constant 0 : i32
      %dma_start3A_169 = tpu.memref_slice %arg6[%add3A_35, %dma_start3A_168] : memref<10000x128xf32, #tpu.memory_space<vmem_shared>> -> memref<80x128xf32, #tpu.memory_space<vmem_shared>>
      tpu.enqueue_dma source(%arg9 : memref<80x128xf32, #tpu.memory_space<vmem>>) target(%dma_start3A_169 : memref<80x128xf32, #tpu.memory_space<vmem_shared>>) target_semaphore(%run_scoped3A : memref<!tpu.dma_semaphore, #tpu.memory_space<semaphore_mem>>)
      %dma_wait3A_170 = arith.constant 0 : i32
      %dma_wait3A_171 = tpu.memref_slice %arg6[%add3A_35, %dma_wait3A_170] : memref<10000x128xf32, #tpu.memory_space<vmem_shared>> -> memref<80x128xf32, #tpu.memory_space<vmem_shared>>
      %dma_wait3A_172 = arith.constant 0 : i32
      %dma_wait3A_173 = tpu.memref_slice %arg6[%add3A_35, %dma_wait3A_172] : memref<10000x128xf32, #tpu.memory_space<vmem_shared>> -> memref<80x128xf32, #tpu.memory_space<vmem_shared>>
      tpu.wait_dma2 semaphore(%run_scoped3A : memref<!tpu.dma_semaphore, #tpu.memory_space<semaphore_mem>>) src(%arg9 : memref<80x128xf32, #tpu.memory_space<vmem>>) dst(%dma_wait3A_173 : memref<80x128xf32, #tpu.memory_space<vmem_shared>>)
      tpu.yield
    }) : () -> ()
    %mul3A_36 = arith.constant 624 : i32
    %mul3A_37 = arith.muli %arg1, %mul3A_36 : i32
    %add3A_38 = arith.constant 480 : i32
    %add3A_39 = arith.addi %mul3A_37, %add3A_38 : i32
    "tpu.region"() ({
      %run_scoped3A = tpu.sem_alloc : memref<!tpu.dma_semaphore, #tpu.memory_space<semaphore_mem>>
      %dma_start3A_166 = arith.constant 0 : i32
      %dma_start3A_167 = tpu.memref_slice %arg6[%add3A_39, %dma_start3A_166] : memref<10000x128xf32, #tpu.memory_space<vmem_shared>> -> memref<80x128xf32, #tpu.memory_space<vmem_shared>>
      %dma_start3A_168 = arith.constant 0 : i32
      %dma_start3A_169 = tpu.memref_slice %arg6[%add3A_39, %dma_start3A_168] : memref<10000x128xf32, #tpu.memory_space<vmem_shared>> -> memref<80x128xf32, #tpu.memory_space<vmem_shared>>
      tpu.enqueue_dma source(%arg9 : memref<80x128xf32, #tpu.memory_space<vmem>>) target(%dma_start3A_169 : memref<80x128xf32, #tpu.memory_space<vmem_shared>>) target_semaphore(%run_scoped3A : memref<!tpu.dma_semaphore, #tpu.memory_space<semaphore_mem>>)
      %dma_wait3A_170 = arith.constant 0 : i32
      %dma_wait3A_171 = tpu.memref_slice %arg6[%add3A_39, %dma_wait3A_170] : memref<10000x128xf32, #tpu.memory_space<vmem_shared>> -> memref<80x128xf32, #tpu.memory_space<vmem_shared>>
      %dma_wait3A_172 = arith.constant 0 : i32
      %dma_wait3A_173 = tpu.memref_slice %arg6[%add3A_39, %dma_wait3A_172] : memref<10000x128xf32, #tpu.memory_space<vmem_shared>> -> memref<80x128xf32, #tpu.memory_space<vmem_shared>>
      tpu.wait_dma2 semaphore(%run_scoped3A : memref<!tpu.dma_semaphore, #tpu.memory_space<semaphore_mem>>) src(%arg9 : memref<80x128xf32, #tpu.memory_space<vmem>>) dst(%dma_wait3A_173 : memref<80x128xf32, #tpu.memory_space<vmem_shared>>)
      tpu.yield
    }) : () -> ()
    %mul3A_40 = arith.constant 624 : i32
    %mul3A_41 = arith.muli %arg1, %mul3A_40 : i32
    %add3A_42 = arith.constant 624 : i32
    %add3A_43 = arith.addi %mul3A_41, %add3A_42 : i32
    %sub3A = arith.constant 64 : i32
    %sub3A_44 = arith.subi %add3A_43, %sub3A : i32
    "tpu.region"() ({
      %run_scoped3A = tpu.sem_alloc : memref<!tpu.dma_semaphore, #tpu.memory_space<semaphore_mem>>
      %dma_start3A_166 = arith.constant 0 : i32
      %dma_start3A_167 = arith.constant 0 : i32
      %dma_start3A_168 = tpu.memref_slice %arg9[%dma_start3A_166, %dma_start3A_167] : memref<80x128xf32, #tpu.memory_space<vmem>> -> memref<64x128xf32, #tpu.memory_space<vmem>>
      %dma_start3A_169 = arith.constant 0 : i32
      %dma_start3A_170 = tpu.memref_slice %arg6[%sub3A_44, %dma_start3A_169] : memref<10000x128xf32, #tpu.memory_space<vmem_shared>> -> memref<64x128xf32, #tpu.memory_space<vmem_shared>>
      %dma_start3A_171 = arith.constant 0 : i32
      %dma_start3A_172 = tpu.memref_slice %arg6[%sub3A_44, %dma_start3A_171] : memref<10000x128xf32, #tpu.memory_space<vmem_shared>> -> memref<64x128xf32, #tpu.memory_space<vmem_shared>>
      %dma_start3A_173 = arith.constant 0 : i32
      %dma_start3A_174 = arith.constant 0 : i32
      %dma_start3A_175 = tpu.memref_slice %arg9[%dma_start3A_173, %dma_start3A_174] : memref<80x128xf32, #tpu.memory_space<vmem>> -> memref<64x128xf32, #tpu.memory_space<vmem>>
      tpu.enqueue_dma source(%dma_start3A_175 : memref<64x128xf32, #tpu.memory_space<vmem>>) target(%dma_start3A_172 : memref<64x128xf32, #tpu.memory_space<vmem_shared>>) target_semaphore(%run_scoped3A : memref<!tpu.dma_semaphore, #tpu.memory_space<semaphore_mem>>)
      %dma_wait3A_176 = arith.constant 0 : i32
      %dma_wait3A_177 = arith.constant 0 : i32
      %dma_wait3A_178 = tpu.memref_slice %arg9[%dma_wait3A_176, %dma_wait3A_177] : memref<80x128xf32, #tpu.memory_space<vmem>> -> memref<64x128xf32, #tpu.memory_space<vmem>>
      %dma_wait3A_179 = arith.constant 0 : i32
      %dma_wait3A_180 = tpu.memref_slice %arg6[%sub3A_44, %dma_wait3A_179] : memref<10000x128xf32, #tpu.memory_space<vmem_shared>> -> memref<64x128xf32, #tpu.memory_space<vmem_shared>>
      %dma_wait3A_181 = arith.constant 0 : i32
      %dma_wait3A_182 = tpu.memref_slice %arg6[%sub3A_44, %dma_wait3A_181] : memref<10000x128xf32, #tpu.memory_space<vmem_shared>> -> memref<64x128xf32, #tpu.memory_space<vmem_shared>>
      %dma_wait3A_183 = arith.constant 0 : i32
      %dma_wait3A_184 = arith.constant 0 : i32
      %dma_wait3A_185 = tpu.memref_slice %arg9[%dma_wait3A_183, %dma_wait3A_184] : memref<80x128xf32, #tpu.memory_space<vmem>> -> memref<64x128xf32, #tpu.memory_space<vmem>>
      tpu.wait_dma2 semaphore(%run_scoped3A : memref<!tpu.dma_semaphore, #tpu.memory_space<semaphore_mem>>) src(%dma_wait3A_185 : memref<64x128xf32, #tpu.memory_space<vmem>>) dst(%dma_wait3A_182 : memref<64x128xf32, #tpu.memory_space<vmem_shared>>)
      tpu.yield
    }) : () -> ()
    %eq3A = arith.constant 15 : i32
    %eq3A_45 = arith.cmpi eq, %arg1, %eq3A : i32
    %convert_element_type3A = arith.extui %eq3A_45 : i1 to i32
    %cond3A = arith.constant 0 : i32
    %cond3A_46 = arith.cmpi ne, %convert_element_type3A, %cond3A : i32
    scf.if %cond3A_46 {
      "tpu.region"() ({
        %run_scoped3A = tpu.sem_alloc : memref<!tpu.dma_semaphore, #tpu.memory_space<semaphore_mem>>
        %dma_start3A_166 = arith.constant 0 : i32
        %dma_start3A_167 = arith.constant 0 : i32
        %dma_start3A_168 = tpu.memref_slice %arg9[%dma_start3A_166, %dma_start3A_167] : memref<80x128xf32, #tpu.memory_space<vmem>> -> memref<16x128xf32, #tpu.memory_space<vmem>>
        %dma_start3A_169 = arith.constant 9984 : i32
        %dma_start3A_170 = arith.constant 0 : i32
        %dma_start3A_171 = tpu.memref_slice %arg6[%dma_start3A_169, %dma_start3A_170] : memref<10000x128xf32, #tpu.memory_space<vmem_shared>> -> memref<16x128xf32, #tpu.memory_space<vmem_shared>>
        %dma_start3A_172 = arith.constant 9984 : i32
        %dma_start3A_173 = arith.constant 0 : i32
        %dma_start3A_174 = tpu.memref_slice %arg6[%dma_start3A_172, %dma_start3A_173] : memref<10000x128xf32, #tpu.memory_space<vmem_shared>> -> memref<16x128xf32, #tpu.memory_space<vmem_shared>>
        %dma_start3A_175 = arith.constant 0 : i32
        %dma_start3A_176 = arith.constant 0 : i32
        %dma_start3A_177 = tpu.memref_slice %arg9[%dma_start3A_175, %dma_start3A_176] : memref<80x128xf32, #tpu.memory_space<vmem>> -> memref<16x128xf32, #tpu.memory_space<vmem>>
        tpu.enqueue_dma source(%dma_start3A_177 : memref<16x128xf32, #tpu.memory_space<vmem>>) target(%dma_start3A_174 : memref<16x128xf32, #tpu.memory_space<vmem_shared>>) target_semaphore(%run_scoped3A : memref<!tpu.dma_semaphore, #tpu.memory_space<semaphore_mem>>)
        %dma_wait3A_178 = arith.constant 0 : i32
        %dma_wait3A_179 = arith.constant 0 : i32
        %dma_wait3A_180 = tpu.memref_slice %arg9[%dma_wait3A_178, %dma_wait3A_179] : memref<80x128xf32, #tpu.memory_space<vmem>> -> memref<16x128xf32, #tpu.memory_space<vmem>>
        %dma_wait3A_181 = arith.constant 9984 : i32
        %dma_wait3A_182 = arith.constant 0 : i32
        %dma_wait3A_183 = tpu.memref_slice %arg6[%dma_wait3A_181, %dma_wait3A_182] : memref<10000x128xf32, #tpu.memory_space<vmem_shared>> -> memref<16x128xf32, #tpu.memory_space<vmem_shared>>
        %dma_wait3A_184 = arith.constant 9984 : i32
        %dma_wait3A_185 = arith.constant 0 : i32
        %dma_wait3A_186 = tpu.memref_slice %arg6[%dma_wait3A_184, %dma_wait3A_185] : memref<10000x128xf32, #tpu.memory_space<vmem_shared>> -> memref<16x128xf32, #tpu.memory_space<vmem_shared>>
        %dma_wait3A_187 = arith.constant 0 : i32
        %dma_wait3A_188 = arith.constant 0 : i32
        %dma_wait3A_189 = tpu.memref_slice %arg9[%dma_wait3A_187, %dma_wait3A_188] : memref<80x128xf32, #tpu.memory_space<vmem>> -> memref<16x128xf32, #tpu.memory_space<vmem>>
        tpu.wait_dma2 semaphore(%run_scoped3A : memref<!tpu.dma_semaphore, #tpu.memory_space<semaphore_mem>>) src(%dma_wait3A_189 : memref<16x128xf32, #tpu.memory_space<vmem>>) dst(%dma_wait3A_186 : memref<16x128xf32, #tpu.memory_space<vmem_shared>>)
        tpu.yield
      }) : () -> ()
    } else {
    }
    %dma_wait3A = tpu.memref_slice %arg3[%mul3A_2] : memref<320000xi32, #tpu.memory_space<hbm>> -> memref<10000xi32, #tpu.memory_space<hbm>>
    %dma_wait3A_47 = tpu.memref_slice %arg3[%mul3A_2] : memref<320000xi32, #tpu.memory_space<hbm>> -> memref<10000xi32, #tpu.memory_space<hbm>>
    tpu.wait_dma2 semaphore(%arg18 : memref<!tpu.dma_semaphore, #tpu.memory_space<semaphore_mem>>) src(%dma_wait3A_47 : memref<10000xi32, #tpu.memory_space<hbm>>) dst(%arg7 : memref<10000xi32, #tpu.memory_space<vmem>>)
    %dma_start3A_48 = arith.constant 0 : i32
    %dma_start3A_49 = tpu.memref_slice %arg7[%dma_start3A_48] : memref<10000xi32, #tpu.memory_space<vmem>> -> memref<80xi32, #tpu.memory_space<vmem>>
    %dma_start3A_50 = arith.constant 0 : i32
    %dma_start3A_51 = arith.constant 0 : i32
    %dma_start3A_52 = tpu.memref_slice %arg2[%dma_start3A_50, %dma_start3A_51] : memref<10000x128xf32, #tpu.memory_space<hbm>> -> memref<10000x128xf32, #tpu.memory_space<hbm>>
    tpu.enqueue_indirect_dma source(%dma_start3A_52 : memref<10000x128xf32, #tpu.memory_space<hbm>>) target(%arg9 : memref<80x128xf32, #tpu.memory_space<vmem>>) offsets(%dma_start3A_49 : memref<80xi32, #tpu.memory_space<vmem>>) semaphore(%arg12 : memref<!tpu.dma_semaphore, #tpu.memory_space<semaphore_mem>>)
    %dma_start3A_53 = arith.constant 80 : i32
    %dma_start3A_54 = tpu.memref_slice %arg7[%dma_start3A_53] : memref<10000xi32, #tpu.memory_space<vmem>> -> memref<80xi32, #tpu.memory_space<vmem>>
    %dma_start3A_55 = arith.constant 0 : i32
    %dma_start3A_56 = arith.constant 0 : i32
    %dma_start3A_57 = tpu.memref_slice %arg2[%dma_start3A_55, %dma_start3A_56] : memref<10000x128xf32, #tpu.memory_space<hbm>> -> memref<10000x128xf32, #tpu.memory_space<hbm>>
    tpu.enqueue_indirect_dma source(%dma_start3A_57 : memref<10000x128xf32, #tpu.memory_space<hbm>>) target(%arg10 : memref<80x128xf32, #tpu.memory_space<vmem>>) offsets(%dma_start3A_54 : memref<80xi32, #tpu.memory_space<vmem>>) semaphore(%arg13 : memref<!tpu.dma_semaphore, #tpu.memory_space<semaphore_mem>>)
    %dma_start3A_58 = arith.constant 160 : i32
    %dma_start3A_59 = tpu.memref_slice %arg7[%dma_start3A_58] : memref<10000xi32, #tpu.memory_space<vmem>> -> memref<80xi32, #tpu.memory_space<vmem>>
    %dma_start3A_60 = arith.constant 0 : i32
    %dma_start3A_61 = arith.constant 0 : i32
    %dma_start3A_62 = tpu.memref_slice %arg2[%dma_start3A_60, %dma_start3A_61] : memref<10000x128xf32, #tpu.memory_space<hbm>> -> memref<10000x128xf32, #tpu.memory_space<hbm>>
    tpu.enqueue_indirect_dma source(%dma_start3A_62 : memref<10000x128xf32, #tpu.memory_space<hbm>>) target(%arg11 : memref<80x128xf32, #tpu.memory_space<vmem>>) offsets(%dma_start3A_59 : memref<80xi32, #tpu.memory_space<vmem>>) semaphore(%arg14 : memref<!tpu.dma_semaphore, #tpu.memory_space<semaphore_mem>>)
    %dma_wait3A_63 = tpu.memref_slice %arg4[%mul3A_2] : memref<320000xi32, #tpu.memory_space<hbm>> -> memref<10000xi32, #tpu.memory_space<hbm>>
    %dma_wait3A_64 = tpu.memref_slice %arg4[%mul3A_2] : memref<320000xi32, #tpu.memory_space<hbm>> -> memref<10000xi32, #tpu.memory_space<hbm>>
    tpu.wait_dma2 semaphore(%arg18 : memref<!tpu.dma_semaphore, #tpu.memory_space<semaphore_mem>>) src(%dma_wait3A_64 : memref<10000xi32, #tpu.memory_space<hbm>>) dst(%arg8 : memref<10000xi32, #tpu.memory_space<vmem>>)
    %barrier3A = arith.constant 0 : index
    tpu.barrier barrier_id(%barrier3A)
    %dma_wait3A_65 = arith.constant 0 : i32
    %dma_wait3A_66 = tpu.memref_slice %arg7[%dma_wait3A_65] : memref<10000xi32, #tpu.memory_space<vmem>> -> memref<80xi32, #tpu.memory_space<vmem>>
    %dma_wait3A_67 = arith.constant 0 : i32
    %dma_wait3A_68 = arith.constant 0 : i32
    %dma_wait3A_69 = tpu.memref_slice %arg2[%dma_wait3A_67, %dma_wait3A_68] : memref<10000x128xf32, #tpu.memory_space<hbm>> -> memref<10000x128xf32, #tpu.memory_space<hbm>>
    tpu.wait_indirect_dma semaphore(%arg12 : memref<!tpu.dma_semaphore, #tpu.memory_space<semaphore_mem>>) src(%dma_wait3A_69 : memref<10000x128xf32, #tpu.memory_space<hbm>>) dst(%arg9 : memref<80x128xf32, #tpu.memory_space<vmem>>)
    %dma_start3A_70 = arith.constant 0 : i32
    %dma_start3A_71 = tpu.memref_slice %arg8[%dma_start3A_70] : memref<10000xi32, #tpu.memory_space<vmem>> -> memref<80xi32, #tpu.memory_space<vmem>>
    %dma_start3A_72 = arith.constant 0 : i32
    %dma_start3A_73 = arith.constant 0 : i32
    %dma_start3A_74 = tpu.memref_slice %arg6[%dma_start3A_72, %dma_start3A_73] : memref<10000x128xf32, #tpu.memory_space<vmem_shared>> -> memref<10000x128xf32, #tpu.memory_space<vmem_shared>>
    tpu.enqueue_indirect_dma source(%arg9 : memref<80x128xf32, #tpu.memory_space<vmem>>) target(%dma_start3A_74 : memref<10000x128xf32, #tpu.memory_space<vmem_shared>>) offsets(%dma_start3A_71 : memref<80xi32, #tpu.memory_space<vmem>>) semaphore(%arg15 : memref<!tpu.dma_semaphore, #tpu.memory_space<semaphore_mem>>) {add = true}
    %scan3A_75 = arith.constant 0 : i32
    %scan3A_76 = arith.constant 0 : i32
    %scan3A_77 = arith.constant 40 : i32
    %scan3A_78 = arith.addi %scan3A_76, %scan3A_77 : i32
    %scan3A_79 = arith.constant 1 : i32
    scf.for %scan3A_166 = %scan3A_76 to %scan3A_78 step %scan3A_79  : i32 {
      %mul3A_167 = arith.constant 3 : i32
      %mul3A_168 = arith.muli %mul3A_167, %scan3A_166 : i32
      %add3A_169 = arith.constant 1 : i32
      %add3A_170 = arith.addi %mul3A_168, %add3A_169 : i32
      %add3A_171 = arith.constant 0 : i32
      %add3A_172 = arith.addi %add3A_170, %add3A_171 : i32
      %mul3A_173 = arith.constant 80 : i32
      %mul3A_174 = arith.muli %add3A_172, %mul3A_173 : i32
      %dma_wait3A_175 = tpu.memref_slice %arg7[%mul3A_174] : memref<10000xi32, #tpu.memory_space<vmem>> -> memref<80xi32, #tpu.memory_space<vmem>>
      %dma_wait3A_176 = arith.constant 0 : i32
      %dma_wait3A_177 = arith.constant 0 : i32
      %dma_wait3A_178 = tpu.memref_slice %arg2[%dma_wait3A_176, %dma_wait3A_177] : memref<10000x128xf32, #tpu.memory_space<hbm>> -> memref<10000x128xf32, #tpu.memory_space<hbm>>
      tpu.wait_indirect_dma semaphore(%arg13 : memref<!tpu.dma_semaphore, #tpu.memory_space<semaphore_mem>>) src(%dma_wait3A_178 : memref<10000x128xf32, #tpu.memory_space<hbm>>) dst(%arg10 : memref<80x128xf32, #tpu.memory_space<vmem>>)
      %mul3A_179 = arith.constant 80 : i32
      %mul3A_180 = arith.muli %add3A_172, %mul3A_179 : i32
      %dma_start3A_181 = tpu.memref_slice %arg8[%mul3A_180] : memref<10000xi32, #tpu.memory_space<vmem>> -> memref<80xi32, #tpu.memory_space<vmem>>
      %dma_start3A_182 = arith.constant 0 : i32
      %dma_start3A_183 = arith.constant 0 : i32
      %dma_start3A_184 = tpu.memref_slice %arg6[%dma_start3A_182, %dma_start3A_183] : memref<10000x128xf32, #tpu.memory_space<vmem_shared>> -> memref<10000x128xf32, #tpu.memory_space<vmem_shared>>
      tpu.enqueue_indirect_dma source(%arg10 : memref<80x128xf32, #tpu.memory_space<vmem>>) target(%dma_start3A_184 : memref<10000x128xf32, #tpu.memory_space<vmem_shared>>) offsets(%dma_start3A_181 : memref<80xi32, #tpu.memory_space<vmem>>) semaphore(%arg16 : memref<!tpu.dma_semaphore, #tpu.memory_space<semaphore_mem>>) {add = true}
      %sub3A_185 = arith.constant 1 : i32
      %sub3A_186 = arith.subi %add3A_172, %sub3A_185 : i32
      %mul3A_187 = arith.constant 80 : i32
      %mul3A_188 = arith.muli %sub3A_186, %mul3A_187 : i32
      %dma_wait3A_189 = tpu.memref_slice %arg8[%mul3A_188] : memref<10000xi32, #tpu.memory_space<vmem>> -> memref<80xi32, #tpu.memory_space<vmem>>
      %dma_wait3A_190 = arith.constant 0 : i32
      %dma_wait3A_191 = arith.constant 0 : i32
      %dma_wait3A_192 = tpu.memref_slice %arg6[%dma_wait3A_190, %dma_wait3A_191] : memref<10000x128xf32, #tpu.memory_space<vmem_shared>> -> memref<10000x128xf32, #tpu.memory_space<vmem_shared>>
      tpu.wait_indirect_dma semaphore(%arg15 : memref<!tpu.dma_semaphore, #tpu.memory_space<semaphore_mem>>) src(%arg9 : memref<80x128xf32, #tpu.memory_space<vmem>>) dst(%dma_wait3A_192 : memref<10000x128xf32, #tpu.memory_space<vmem_shared>>)
      %add3A_193 = arith.constant 2 : i32
      %add3A_194 = arith.addi %add3A_172, %add3A_193 : i32
      %mul3A_195 = arith.constant 80 : i32
      %mul3A_196 = arith.muli %add3A_194, %mul3A_195 : i32
      %dma_start3A_197 = tpu.memref_slice %arg7[%mul3A_196] : memref<10000xi32, #tpu.memory_space<vmem>> -> memref<80xi32, #tpu.memory_space<vmem>>
      %dma_start3A_198 = arith.constant 0 : i32
      %dma_start3A_199 = arith.constant 0 : i32
      %dma_start3A_200 = tpu.memref_slice %arg2[%dma_start3A_198, %dma_start3A_199] : memref<10000x128xf32, #tpu.memory_space<hbm>> -> memref<10000x128xf32, #tpu.memory_space<hbm>>
      tpu.enqueue_indirect_dma source(%dma_start3A_200 : memref<10000x128xf32, #tpu.memory_space<hbm>>) target(%arg9 : memref<80x128xf32, #tpu.memory_space<vmem>>) offsets(%dma_start3A_197 : memref<80xi32, #tpu.memory_space<vmem>>) semaphore(%arg12 : memref<!tpu.dma_semaphore, #tpu.memory_space<semaphore_mem>>)
      %add3A_201 = arith.constant 1 : i32
      %add3A_202 = arith.addi %add3A_170, %add3A_201 : i32
      %mul3A_203 = arith.constant 80 : i32
      %mul3A_204 = arith.muli %add3A_202, %mul3A_203 : i32
      %dma_wait3A_205 = tpu.memref_slice %arg7[%mul3A_204] : memref<10000xi32, #tpu.memory_space<vmem>> -> memref<80xi32, #tpu.memory_space<vmem>>
      %dma_wait3A_206 = arith.constant 0 : i32
      %dma_wait3A_207 = arith.constant 0 : i32
      %dma_wait3A_208 = tpu.memref_slice %arg2[%dma_wait3A_206, %dma_wait3A_207] : memref<10000x128xf32, #tpu.memory_space<hbm>> -> memref<10000x128xf32, #tpu.memory_space<hbm>>
      tpu.wait_indirect_dma semaphore(%arg14 : memref<!tpu.dma_semaphore, #tpu.memory_space<semaphore_mem>>) src(%dma_wait3A_208 : memref<10000x128xf32, #tpu.memory_space<hbm>>) dst(%arg11 : memref<80x128xf32, #tpu.memory_space<vmem>>)
      %mul3A_209 = arith.constant 80 : i32
      %mul3A_210 = arith.muli %add3A_202, %mul3A_209 : i32
      %dma_start3A_211 = tpu.memref_slice %arg8[%mul3A_210] : memref<10000xi32, #tpu.memory_space<vmem>> -> memref<80xi32, #tpu.memory_space<vmem>>
      %dma_start3A_212 = arith.constant 0 : i32
      %dma_start3A_213 = arith.constant 0 : i32
      %dma_start3A_214 = tpu.memref_slice %arg6[%dma_start3A_212, %dma_start3A_213] : memref<10000x128xf32, #tpu.memory_space<vmem_shared>> -> memref<10000x128xf32, #tpu.memory_space<vmem_shared>>
      tpu.enqueue_indirect_dma source(%arg11 : memref<80x128xf32, #tpu.memory_space<vmem>>) target(%dma_start3A_214 : memref<10000x128xf32, #tpu.memory_space<vmem_shared>>) offsets(%dma_start3A_211 : memref<80xi32, #tpu.memory_space<vmem>>) semaphore(%arg17 : memref<!tpu.dma_semaphore, #tpu.memory_space<semaphore_mem>>) {add = true}
      %sub3A_215 = arith.constant 1 : i32
      %sub3A_216 = arith.subi %add3A_202, %sub3A_215 : i32
      %mul3A_217 = arith.constant 80 : i32
      %mul3A_218 = arith.muli %sub3A_216, %mul3A_217 : i32
      %dma_wait3A_219 = tpu.memref_slice %arg8[%mul3A_218] : memref<10000xi32, #tpu.memory_space<vmem>> -> memref<80xi32, #tpu.memory_space<vmem>>
      %dma_wait3A_220 = arith.constant 0 : i32
      %dma_wait3A_221 = arith.constant 0 : i32
      %dma_wait3A_222 = tpu.memref_slice %arg6[%dma_wait3A_220, %dma_wait3A_221] : memref<10000x128xf32, #tpu.memory_space<vmem_shared>> -> memref<10000x128xf32, #tpu.memory_space<vmem_shared>>
      tpu.wait_indirect_dma semaphore(%arg16 : memref<!tpu.dma_semaphore, #tpu.memory_space<semaphore_mem>>) src(%arg10 : memref<80x128xf32, #tpu.memory_space<vmem>>) dst(%dma_wait3A_222 : memref<10000x128xf32, #tpu.memory_space<vmem_shared>>)
      %add3A_223 = arith.constant 2 : i32
      %add3A_224 = arith.addi %add3A_202, %add3A_223 : i32
      %mul3A_225 = arith.constant 80 : i32
      %mul3A_226 = arith.muli %add3A_224, %mul3A_225 : i32
      %dma_start3A_227 = tpu.memref_slice %arg7[%mul3A_226] : memref<10000xi32, #tpu.memory_space<vmem>> -> memref<80xi32, #tpu.memory_space<vmem>>
      %dma_start3A_228 = arith.constant 0 : i32
      %dma_start3A_229 = arith.constant 0 : i32
      %dma_start3A_230 = tpu.memref_slice %arg2[%dma_start3A_228, %dma_start3A_229] : memref<10000x128xf32, #tpu.memory_space<hbm>> -> memref<10000x128xf32, #tpu.memory_space<hbm>>
      tpu.enqueue_indirect_dma source(%dma_start3A_230 : memref<10000x128xf32, #tpu.memory_space<hbm>>) target(%arg10 : memref<80x128xf32, #tpu.memory_space<vmem>>) offsets(%dma_start3A_227 : memref<80xi32, #tpu.memory_space<vmem>>) semaphore(%arg13 : memref<!tpu.dma_semaphore, #tpu.memory_space<semaphore_mem>>)
      %add3A_231 = arith.constant 2 : i32
      %add3A_232 = arith.addi %add3A_170, %add3A_231 : i32
      %mul3A_233 = arith.constant 80 : i32
      %mul3A_234 = arith.muli %add3A_232, %mul3A_233 : i32
      %dma_wait3A_235 = tpu.memref_slice %arg7[%mul3A_234] : memref<10000xi32, #tpu.memory_space<vmem>> -> memref<80xi32, #tpu.memory_space<vmem>>
      %dma_wait3A_236 = arith.constant 0 : i32
      %dma_wait3A_237 = arith.constant 0 : i32
      %dma_wait3A_238 = tpu.memref_slice %arg2[%dma_wait3A_236, %dma_wait3A_237] : memref<10000x128xf32, #tpu.memory_space<hbm>> -> memref<10000x128xf32, #tpu.memory_space<hbm>>
      tpu.wait_indirect_dma semaphore(%arg12 : memref<!tpu.dma_semaphore, #tpu.memory_space<semaphore_mem>>) src(%dma_wait3A_238 : memref<10000x128xf32, #tpu.memory_space<hbm>>) dst(%arg9 : memref<80x128xf32, #tpu.memory_space<vmem>>)
      %mul3A_239 = arith.constant 80 : i32
      %mul3A_240 = arith.muli %add3A_232, %mul3A_239 : i32
      %dma_start3A_241 = tpu.memref_slice %arg8[%mul3A_240] : memref<10000xi32, #tpu.memory_space<vmem>> -> memref<80xi32, #tpu.memory_space<vmem>>
      %dma_start3A_242 = arith.constant 0 : i32
      %dma_start3A_243 = arith.constant 0 : i32
      %dma_start3A_244 = tpu.memref_slice %arg6[%dma_start3A_242, %dma_start3A_243] : memref<10000x128xf32, #tpu.memory_space<vmem_shared>> -> memref<10000x128xf32, #tpu.memory_space<vmem_shared>>
      tpu.enqueue_indirect_dma source(%arg9 : memref<80x128xf32, #tpu.memory_space<vmem>>) target(%dma_start3A_244 : memref<10000x128xf32, #tpu.memory_space<vmem_shared>>) offsets(%dma_start3A_241 : memref<80xi32, #tpu.memory_space<vmem>>) semaphore(%arg15 : memref<!tpu.dma_semaphore, #tpu.memory_space<semaphore_mem>>) {add = true}
      %sub3A_245 = arith.constant 1 : i32
      %sub3A_246 = arith.subi %add3A_232, %sub3A_245 : i32
      %mul3A_247 = arith.constant 80 : i32
      %mul3A_248 = arith.muli %sub3A_246, %mul3A_247 : i32
      %dma_wait3A_249 = tpu.memref_slice %arg8[%mul3A_248] : memref<10000xi32, #tpu.memory_space<vmem>> -> memref<80xi32, #tpu.memory_space<vmem>>
      %dma_wait3A_250 = arith.constant 0 : i32
      %dma_wait3A_251 = arith.constant 0 : i32
      %dma_wait3A_252 = tpu.memref_slice %arg6[%dma_wait3A_250, %dma_wait3A_251] : memref<10000x128xf32, #tpu.memory_space<vmem_shared>> -> memref<10000x128xf32, #tpu.memory_space<vmem_shared>>
      tpu.wait_indirect_dma semaphore(%arg17 : memref<!tpu.dma_semaphore, #tpu.memory_space<semaphore_mem>>) src(%arg11 : memref<80x128xf32, #tpu.memory_space<vmem>>) dst(%dma_wait3A_252 : memref<10000x128xf32, #tpu.memory_space<vmem_shared>>)
      %add3A_253 = arith.constant 2 : i32
      %add3A_254 = arith.addi %add3A_232, %add3A_253 : i32
      %mul3A_255 = arith.constant 80 : i32
      %mul3A_256 = arith.muli %add3A_254, %mul3A_255 : i32
      %dma_start3A_257 = tpu.memref_slice %arg7[%mul3A_256] : memref<10000xi32, #tpu.memory_space<vmem>> -> memref<80xi32, #tpu.memory_space<vmem>>
      %dma_start3A_258 = arith.constant 0 : i32
      %dma_start3A_259 = arith.constant 0 : i32
      %dma_start3A_260 = tpu.memref_slice %arg2[%dma_start3A_258, %dma_start3A_259] : memref<10000x128xf32, #tpu.memory_space<hbm>> -> memref<10000x128xf32, #tpu.memory_space<hbm>>
      tpu.enqueue_indirect_dma source(%dma_start3A_260 : memref<10000x128xf32, #tpu.memory_space<hbm>>) target(%arg11 : memref<80x128xf32, #tpu.memory_space<vmem>>) offsets(%dma_start3A_257 : memref<80xi32, #tpu.memory_space<vmem>>) semaphore(%arg14 : memref<!tpu.dma_semaphore, #tpu.memory_space<semaphore_mem>>)
    }
    %scan3A_80 = arith.constant 40 : i32
    %dma_wait3A_81 = arith.constant 9680 : i32
    %dma_wait3A_82 = tpu.memref_slice %arg7[%dma_wait3A_81] : memref<10000xi32, #tpu.memory_space<vmem>> -> memref<80xi32, #tpu.memory_space<vmem>>
    %dma_wait3A_83 = arith.constant 0 : i32
    %dma_wait3A_84 = arith.constant 0 : i32
    %dma_wait3A_85 = tpu.memref_slice %arg2[%dma_wait3A_83, %dma_wait3A_84] : memref<10000x128xf32, #tpu.memory_space<hbm>> -> memref<10000x128xf32, #tpu.memory_space<hbm>>
    tpu.wait_indirect_dma semaphore(%arg13 : memref<!tpu.dma_semaphore, #tpu.memory_space<semaphore_mem>>) src(%dma_wait3A_85 : memref<10000x128xf32, #tpu.memory_space<hbm>>) dst(%arg10 : memref<80x128xf32, #tpu.memory_space<vmem>>)
    %dma_start3A_86 = arith.constant 9680 : i32
    %dma_start3A_87 = tpu.memref_slice %arg8[%dma_start3A_86] : memref<10000xi32, #tpu.memory_space<vmem>> -> memref<80xi32, #tpu.memory_space<vmem>>
    %dma_start3A_88 = arith.constant 0 : i32
    %dma_start3A_89 = arith.constant 0 : i32
    %dma_start3A_90 = tpu.memref_slice %arg6[%dma_start3A_88, %dma_start3A_89] : memref<10000x128xf32, #tpu.memory_space<vmem_shared>> -> memref<10000x128xf32, #tpu.memory_space<vmem_shared>>
    tpu.enqueue_indirect_dma source(%arg10 : memref<80x128xf32, #tpu.memory_space<vmem>>) target(%dma_start3A_90 : memref<10000x128xf32, #tpu.memory_space<vmem_shared>>) offsets(%dma_start3A_87 : memref<80xi32, #tpu.memory_space<vmem>>) semaphore(%arg16 : memref<!tpu.dma_semaphore, #tpu.memory_space<semaphore_mem>>) {add = true}
    %dma_wait3A_91 = arith.constant 9600 : i32
    %dma_wait3A_92 = tpu.memref_slice %arg8[%dma_wait3A_91] : memref<10000xi32, #tpu.memory_space<vmem>> -> memref<80xi32, #tpu.memory_space<vmem>>
    %dma_wait3A_93 = arith.constant 0 : i32
    %dma_wait3A_94 = arith.constant 0 : i32
    %dma_wait3A_95 = tpu.memref_slice %arg6[%dma_wait3A_93, %dma_wait3A_94] : memref<10000x128xf32, #tpu.memory_space<vmem_shared>> -> memref<10000x128xf32, #tpu.memory_space<vmem_shared>>
    tpu.wait_indirect_dma semaphore(%arg15 : memref<!tpu.dma_semaphore, #tpu.memory_space<semaphore_mem>>) src(%arg9 : memref<80x128xf32, #tpu.memory_space<vmem>>) dst(%dma_wait3A_95 : memref<10000x128xf32, #tpu.memory_space<vmem_shared>>)
    %dma_start3A_96 = arith.constant 9840 : i32
    %dma_start3A_97 = tpu.memref_slice %arg7[%dma_start3A_96] : memref<10000xi32, #tpu.memory_space<vmem>> -> memref<80xi32, #tpu.memory_space<vmem>>
    %dma_start3A_98 = arith.constant 0 : i32
    %dma_start3A_99 = arith.constant 0 : i32
    %dma_start3A_100 = tpu.memref_slice %arg2[%dma_start3A_98, %dma_start3A_99] : memref<10000x128xf32, #tpu.memory_space<hbm>> -> memref<10000x128xf32, #tpu.memory_space<hbm>>
    tpu.enqueue_indirect_dma source(%dma_start3A_100 : memref<10000x128xf32, #tpu.memory_space<hbm>>) target(%arg9 : memref<80x128xf32, #tpu.memory_space<vmem>>) offsets(%dma_start3A_97 : memref<80xi32, #tpu.memory_space<vmem>>) semaphore(%arg12 : memref<!tpu.dma_semaphore, #tpu.memory_space<semaphore_mem>>)
    %dma_wait3A_101 = arith.constant 9760 : i32
    %dma_wait3A_102 = tpu.memref_slice %arg7[%dma_wait3A_101] : memref<10000xi32, #tpu.memory_space<vmem>> -> memref<80xi32, #tpu.memory_space<vmem>>
    %dma_wait3A_103 = arith.constant 0 : i32
    %dma_wait3A_104 = arith.constant 0 : i32
    %dma_wait3A_105 = tpu.memref_slice %arg2[%dma_wait3A_103, %dma_wait3A_104] : memref<10000x128xf32, #tpu.memory_space<hbm>> -> memref<10000x128xf32, #tpu.memory_space<hbm>>
    tpu.wait_indirect_dma semaphore(%arg14 : memref<!tpu.dma_semaphore, #tpu.memory_space<semaphore_mem>>) src(%dma_wait3A_105 : memref<10000x128xf32, #tpu.memory_space<hbm>>) dst(%arg11 : memref<80x128xf32, #tpu.memory_space<vmem>>)
    %dma_start3A_106 = arith.constant 9760 : i32
    %dma_start3A_107 = tpu.memref_slice %arg8[%dma_start3A_106] : memref<10000xi32, #tpu.memory_space<vmem>> -> memref<80xi32, #tpu.memory_space<vmem>>
    %dma_start3A_108 = arith.constant 0 : i32
    %dma_start3A_109 = arith.constant 0 : i32
    %dma_start3A_110 = tpu.memref_slice %arg6[%dma_start3A_108, %dma_start3A_109] : memref<10000x128xf32, #tpu.memory_space<vmem_shared>> -> memref<10000x128xf32, #tpu.memory_space<vmem_shared>>
    tpu.enqueue_indirect_dma source(%arg11 : memref<80x128xf32, #tpu.memory_space<vmem>>) target(%dma_start3A_110 : memref<10000x128xf32, #tpu.memory_space<vmem_shared>>) offsets(%dma_start3A_107 : memref<80xi32, #tpu.memory_space<vmem>>) semaphore(%arg17 : memref<!tpu.dma_semaphore, #tpu.memory_space<semaphore_mem>>) {add = true}
    %dma_wait3A_111 = arith.constant 9680 : i32
    %dma_wait3A_112 = tpu.memref_slice %arg8[%dma_wait3A_111] : memref<10000xi32, #tpu.memory_space<vmem>> -> memref<80xi32, #tpu.memory_space<vmem>>
    %dma_wait3A_113 = arith.constant 0 : i32
    %dma_wait3A_114 = arith.constant 0 : i32
    %dma_wait3A_115 = tpu.memref_slice %arg6[%dma_wait3A_113, %dma_wait3A_114] : memref<10000x128xf32, #tpu.memory_space<vmem_shared>> -> memref<10000x128xf32, #tpu.memory_space<vmem_shared>>
    tpu.wait_indirect_dma semaphore(%arg16 : memref<!tpu.dma_semaphore, #tpu.memory_space<semaphore_mem>>) src(%arg10 : memref<80x128xf32, #tpu.memory_space<vmem>>) dst(%dma_wait3A_115 : memref<10000x128xf32, #tpu.memory_space<vmem_shared>>)
    %dma_start3A_116 = arith.constant 9920 : i32
    %dma_start3A_117 = tpu.memref_slice %arg7[%dma_start3A_116] : memref<10000xi32, #tpu.memory_space<vmem>> -> memref<80xi32, #tpu.memory_space<vmem>>
    %dma_start3A_118 = arith.constant 0 : i32
    %dma_start3A_119 = arith.constant 0 : i32
    %dma_start3A_120 = tpu.memref_slice %arg2[%dma_start3A_118, %dma_start3A_119] : memref<10000x128xf32, #tpu.memory_space<hbm>> -> memref<10000x128xf32, #tpu.memory_space<hbm>>
    tpu.enqueue_indirect_dma source(%dma_start3A_120 : memref<10000x128xf32, #tpu.memory_space<hbm>>) target(%arg10 : memref<80x128xf32, #tpu.memory_space<vmem>>) offsets(%dma_start3A_117 : memref<80xi32, #tpu.memory_space<vmem>>) semaphore(%arg13 : memref<!tpu.dma_semaphore, #tpu.memory_space<semaphore_mem>>)
    %dma_wait3A_121 = arith.constant 9840 : i32
    %dma_wait3A_122 = tpu.memref_slice %arg7[%dma_wait3A_121] : memref<10000xi32, #tpu.memory_space<vmem>> -> memref<80xi32, #tpu.memory_space<vmem>>
    %dma_wait3A_123 = arith.constant 0 : i32
    %dma_wait3A_124 = arith.constant 0 : i32
    %dma_wait3A_125 = tpu.memref_slice %arg2[%dma_wait3A_123, %dma_wait3A_124] : memref<10000x128xf32, #tpu.memory_space<hbm>> -> memref<10000x128xf32, #tpu.memory_space<hbm>>
    tpu.wait_indirect_dma semaphore(%arg12 : memref<!tpu.dma_semaphore, #tpu.memory_space<semaphore_mem>>) src(%dma_wait3A_125 : memref<10000x128xf32, #tpu.memory_space<hbm>>) dst(%arg9 : memref<80x128xf32, #tpu.memory_space<vmem>>)
    %dma_start3A_126 = arith.constant 9840 : i32
    %dma_start3A_127 = tpu.memref_slice %arg8[%dma_start3A_126] : memref<10000xi32, #tpu.memory_space<vmem>> -> memref<80xi32, #tpu.memory_space<vmem>>
    %dma_start3A_128 = arith.constant 0 : i32
    %dma_start3A_129 = arith.constant 0 : i32
    %dma_start3A_130 = tpu.memref_slice %arg6[%dma_start3A_128, %dma_start3A_129] : memref<10000x128xf32, #tpu.memory_space<vmem_shared>> -> memref<10000x128xf32, #tpu.memory_space<vmem_shared>>
    tpu.enqueue_indirect_dma source(%arg9 : memref<80x128xf32, #tpu.memory_space<vmem>>) target(%dma_start3A_130 : memref<10000x128xf32, #tpu.memory_space<vmem_shared>>) offsets(%dma_start3A_127 : memref<80xi32, #tpu.memory_space<vmem>>) semaphore(%arg15 : memref<!tpu.dma_semaphore, #tpu.memory_space<semaphore_mem>>) {add = true}
    %dma_wait3A_131 = arith.constant 9760 : i32
    %dma_wait3A_132 = tpu.memref_slice %arg8[%dma_wait3A_131] : memref<10000xi32, #tpu.memory_space<vmem>> -> memref<80xi32, #tpu.memory_space<vmem>>
    %dma_wait3A_133 = arith.constant 0 : i32
    %dma_wait3A_134 = arith.constant 0 : i32
    %dma_wait3A_135 = tpu.memref_slice %arg6[%dma_wait3A_133, %dma_wait3A_134] : memref<10000x128xf32, #tpu.memory_space<vmem_shared>> -> memref<10000x128xf32, #tpu.memory_space<vmem_shared>>
    tpu.wait_indirect_dma semaphore(%arg17 : memref<!tpu.dma_semaphore, #tpu.memory_space<semaphore_mem>>) src(%arg11 : memref<80x128xf32, #tpu.memory_space<vmem>>) dst(%dma_wait3A_135 : memref<10000x128xf32, #tpu.memory_space<vmem_shared>>)
    %dma_wait3A_136 = arith.constant 9920 : i32
    %dma_wait3A_137 = tpu.memref_slice %arg7[%dma_wait3A_136] : memref<10000xi32, #tpu.memory_space<vmem>> -> memref<80xi32, #tpu.memory_space<vmem>>
    %dma_wait3A_138 = arith.constant 0 : i32
    %dma_wait3A_139 = arith.constant 0 : i32
    %dma_wait3A_140 = tpu.memref_slice %arg2[%dma_wait3A_138, %dma_wait3A_139] : memref<10000x128xf32, #tpu.memory_space<hbm>> -> memref<10000x128xf32, #tpu.memory_space<hbm>>
    tpu.wait_indirect_dma semaphore(%arg13 : memref<!tpu.dma_semaphore, #tpu.memory_space<semaphore_mem>>) src(%dma_wait3A_140 : memref<10000x128xf32, #tpu.memory_space<hbm>>) dst(%arg10 : memref<80x128xf32, #tpu.memory_space<vmem>>)
    %dma_start3A_141 = arith.constant 9920 : i32
    %dma_start3A_142 = tpu.memref_slice %arg8[%dma_start3A_141] : memref<10000xi32, #tpu.memory_space<vmem>> -> memref<80xi32, #tpu.memory_space<vmem>>
    %dma_start3A_143 = arith.constant 0 : i32
    %dma_start3A_144 = arith.constant 0 : i32
    %dma_start3A_145 = tpu.memref_slice %arg6[%dma_start3A_143, %dma_start3A_144] : memref<10000x128xf32, #tpu.memory_space<vmem_shared>> -> memref<10000x128xf32, #tpu.memory_space<vmem_shared>>
    tpu.enqueue_indirect_dma source(%arg10 : memref<80x128xf32, #tpu.memory_space<vmem>>) target(%dma_start3A_145 : memref<10000x128xf32, #tpu.memory_space<vmem_shared>>) offsets(%dma_start3A_142 : memref<80xi32, #tpu.memory_space<vmem>>) semaphore(%arg16 : memref<!tpu.dma_semaphore, #tpu.memory_space<semaphore_mem>>) {add = true}
    %dma_wait3A_146 = arith.constant 9840 : i32
    %dma_wait3A_147 = tpu.memref_slice %arg8[%dma_wait3A_146] : memref<10000xi32, #tpu.memory_space<vmem>> -> memref<80xi32, #tpu.memory_space<vmem>>
    %dma_wait3A_148 = arith.constant 0 : i32
    %dma_wait3A_149 = arith.constant 0 : i32
    %dma_wait3A_150 = tpu.memref_slice %arg6[%dma_wait3A_148, %dma_wait3A_149] : memref<10000x128xf32, #tpu.memory_space<vmem_shared>> -> memref<10000x128xf32, #tpu.memory_space<vmem_shared>>
    tpu.wait_indirect_dma semaphore(%arg15 : memref<!tpu.dma_semaphore, #tpu.memory_space<semaphore_mem>>) src(%arg9 : memref<80x128xf32, #tpu.memory_space<vmem>>) dst(%dma_wait3A_150 : memref<10000x128xf32, #tpu.memory_space<vmem_shared>>)
    %dma_wait3A_151 = arith.constant 9920 : i32
    %dma_wait3A_152 = tpu.memref_slice %arg8[%dma_wait3A_151] : memref<10000xi32, #tpu.memory_space<vmem>> -> memref<80xi32, #tpu.memory_space<vmem>>
    %dma_wait3A_153 = arith.constant 0 : i32
    %dma_wait3A_154 = arith.constant 0 : i32
    %dma_wait3A_155 = tpu.memref_slice %arg6[%dma_wait3A_153, %dma_wait3A_154] : memref<10000x128xf32, #tpu.memory_space<vmem_shared>> -> memref<10000x128xf32, #tpu.memory_space<vmem_shared>>
    tpu.wait_indirect_dma semaphore(%arg16 : memref<!tpu.dma_semaphore, #tpu.memory_space<semaphore_mem>>) src(%arg10 : memref<80x128xf32, #tpu.memory_space<vmem>>) dst(%dma_wait3A_155 : memref<10000x128xf32, #tpu.memory_space<vmem_shared>>)
    %barrier3A_156 = arith.constant 0 : index
    tpu.barrier barrier_id(%barrier3A_156)
    %mul3A_157 = arith.constant 624 : i32
    %mul3A_158 = arith.muli %arg1, %mul3A_157 : i32
    %mul3A_159 = arith.constant 624 : i32
    %mul3A_160 = arith.muli %arg1, %mul3A_159 : i32
    "tpu.region"() ({
      %run_scoped3A = tpu.sem_alloc : memref<!tpu.dma_semaphore, #tpu.memory_space<semaphore_mem>>
      %dma_start3A_166 = arith.constant 0 : i32
      %dma_start3A_167 = tpu.memref_slice %arg5[%arg0, %mul3A_160, %dma_start3A_166] : memref<2x10000x128xf32, #tpu.memory_space<hbm>> -> memref<1x624x128xf32, #tpu.memory_space<hbm>>
      %dma_start3A_168 = tpu.memref_squeeze %dma_start3A_167 : memref<1x624x128xf32, #tpu.memory_space<hbm>> -> memref<624x128xf32, #tpu.memory_space<hbm>>
      %dma_start3A_169 = arith.constant 0 : i32
      %dma_start3A_170 = tpu.memref_slice %arg6[%mul3A_158, %dma_start3A_169] : memref<10000x128xf32, #tpu.memory_space<vmem_shared>> -> memref<624x128xf32, #tpu.memory_space<vmem_shared>>
      tpu.enqueue_dma source(%dma_start3A_170 : memref<624x128xf32, #tpu.memory_space<vmem_shared>>) target(%dma_start3A_168 : memref<624x128xf32, #tpu.memory_space<hbm>>) target_semaphore(%run_scoped3A : memref<!tpu.dma_semaphore, #tpu.memory_space<semaphore_mem>>)
      %dma_wait3A_171 = arith.constant 0 : i32
      %dma_wait3A_172 = tpu.memref_slice %arg5[%arg0, %mul3A_160, %dma_wait3A_171] : memref<2x10000x128xf32, #tpu.memory_space<hbm>> -> memref<1x624x128xf32, #tpu.memory_space<hbm>>
      %dma_wait3A_173 = tpu.memref_squeeze %dma_wait3A_172 : memref<1x624x128xf32, #tpu.memory_space<hbm>> -> memref<624x128xf32, #tpu.memory_space<hbm>>
      %dma_wait3A_174 = arith.constant 0 : i32
      %dma_wait3A_175 = tpu.memref_slice %arg6[%mul3A_158, %dma_wait3A_174] : memref<10000x128xf32, #tpu.memory_space<vmem_shared>> -> memref<624x128xf32, #tpu.memory_space<vmem_shared>>
      tpu.wait_dma2 semaphore(%run_scoped3A : memref<!tpu.dma_semaphore, #tpu.memory_space<semaphore_mem>>) src(%dma_wait3A_175 : memref<624x128xf32, #tpu.memory_space<vmem_shared>>) dst(%dma_wait3A_173 : memref<624x128xf32, #tpu.memory_space<hbm>>)
      tpu.yield
    }) : () -> ()
    %eq3A_161 = arith.constant 15 : i32
    %eq3A_162 = arith.cmpi eq, %arg1, %eq3A_161 : i32
    %convert_element_type3A_163 = arith.extui %eq3A_162 : i1 to i32
    %cond3A_164 = arith.constant 0 : i32
    %cond3A_165 = arith.cmpi ne, %convert_element_type3A_163, %cond3A_164 : i32
    scf.if %cond3A_165 {
      "tpu.region"() ({
        %run_scoped3A = tpu.sem_alloc : memref<!tpu.dma_semaphore, #tpu.memory_space<semaphore_mem>>
        %dma_start3A_166 = arith.constant 9984 : i32
        %dma_start3A_167 = arith.constant 0 : i32
        %dma_start3A_168 = tpu.memref_slice %arg5[%arg0, %dma_start3A_166, %dma_start3A_167] : memref<2x10000x128xf32, #tpu.memory_space<hbm>> -> memref<1x16x128xf32, #tpu.memory_space<hbm>>
        %dma_start3A_169 = tpu.memref_squeeze %dma_start3A_168 : memref<1x16x128xf32, #tpu.memory_space<hbm>> -> memref<16x128xf32, #tpu.memory_space<hbm>>
        %dma_start3A_170 = arith.constant 9984 : i32
        %dma_start3A_171 = arith.constant 0 : i32
        %dma_start3A_172 = tpu.memref_slice %arg6[%dma_start3A_170, %dma_start3A_171] : memref<10000x128xf32, #tpu.memory_space<vmem_shared>> -> memref<16x128xf32, #tpu.memory_space<vmem_shared>>
        tpu.enqueue_dma source(%dma_start3A_172 : memref<16x128xf32, #tpu.memory_space<vmem_shared>>) target(%dma_start3A_169 : memref<16x128xf32, #tpu.memory_space<hbm>>) target_semaphore(%run_scoped3A : memref<!tpu.dma_semaphore, #tpu.memory_space<semaphore_mem>>)
        %dma_wait3A_173 = arith.constant 9984 : i32
        %dma_wait3A_174 = arith.constant 0 : i32
        %dma_wait3A_175 = tpu.memref_slice %arg5[%arg0, %dma_wait3A_173, %dma_wait3A_174] : memref<2x10000x128xf32, #tpu.memory_space<hbm>> -> memref<1x16x128xf32, #tpu.memory_space<hbm>>
        %dma_wait3A_176 = tpu.memref_squeeze %dma_wait3A_175 : memref<1x16x128xf32, #tpu.memory_space<hbm>> -> memref<16x128xf32, #tpu.memory_space<hbm>>
        %dma_wait3A_177 = arith.constant 9984 : i32
        %dma_wait3A_178 = arith.constant 0 : i32
        %dma_wait3A_179 = tpu.memref_slice %arg6[%dma_wait3A_177, %dma_wait3A_178] : memref<10000x128xf32, #tpu.memory_space<vmem_shared>> -> memref<16x128xf32, #tpu.memory_space<vmem_shared>>
        tpu.wait_dma2 semaphore(%run_scoped3A : memref<!tpu.dma_semaphore, #tpu.memory_space<semaphore_mem>>) src(%dma_wait3A_179 : memref<16x128xf32, #tpu.memory_space<vmem_shared>>) dst(%dma_wait3A_176 : memref<16x128xf32, #tpu.memory_space<hbm>>)
        tpu.yield
      }) : () -> ()
    } else {
    }
    return
  }
}

module attributes {stable_mosaic.version = 14 : i64} {
  func.func @_cmm_body(%arg0: i32, %arg1: memref<1xf32, #tpu.memory_space<smem>>, %arg2: memref<1000x128xf32, #tpu.memory_space<vmem>>, %arg3: memref<2x1000x128xf32, #tpu.memory_space<vmem>>, %arg4: memref<128x128xf32, #tpu.memory_space<vmem>>, %arg5: memref<128xf32, #tpu.memory_space<vmem>>, %arg6: memref<1000x128xf32, #tpu.memory_space<vmem>>) attributes {dimension_semantics = [#tpu.dimension_semantics<arbitrary>], iteration_bounds = array<i64: 10>, scalar_prefetch = 0 : i64, scratch_operands = 0 : i64, tpu.core_type = #tpu.core_type<tc>, window_params = [{transform_indices = @transform_0, window_bounds = array<i64: 1>}, {transform_indices = @transform_1, window_bounds = array<i64: 1000, 128>}, {transform_indices = @transform_2, window_bounds = array<i64: 2, 1000, 128>}, {pipeline_mode = #tpu.pipeline_mode<synchronous>, transform_indices = @transform_3, window_bounds = array<i64: 128, 128>}, {pipeline_mode = #tpu.pipeline_mode<synchronous>, transform_indices = @transform_4, window_bounds = array<i64: 128>}, {transform_indices = @transform_5, window_bounds = array<i64: 1000, 128>}]} {
    %get3A = arith.constant 0 : index
    %get3A_0 = memref.load %arg1[%get3A] : memref<1xf32, #tpu.memory_space<smem>>
    %get3A_1 = arith.constant 0 : index
    %get3A_2 = arith.constant 0 : index
    %get3A_3 = vector.load %arg2[%get3A_1, %get3A_2] : memref<1000x128xf32, #tpu.memory_space<vmem>>, vector<1000x128xf32>
    %mul3A = vector.broadcast %get3A_0 : f32 to vector<1000x128xf32>
    %mul3A_4 = arith.mulf %mul3A, %get3A_3 : vector<1000x128xf32>
    %get3A_5 = arith.constant 0 : index
    %get3A_6 = arith.constant 0 : index
    %get3A_7 = arith.constant 0 : index
    %get3A_8 = vector.load %arg3[%get3A_5, %get3A_6, %get3A_7] : memref<2x1000x128xf32, #tpu.memory_space<vmem>>, vector<1x1000x128xf32>
    %get3A_9 = vector.shape_cast %get3A_8 : vector<1x1000x128xf32> to vector<1000x128xf32>
    %add3A = arith.addf %mul3A_4, %get3A_9 : vector<1000x128xf32>
    %get3A_10 = arith.constant 1 : index
    %get3A_11 = arith.constant 0 : index
    %get3A_12 = arith.constant 0 : index
    %get3A_13 = vector.load %arg3[%get3A_10, %get3A_11, %get3A_12] : memref<2x1000x128xf32, #tpu.memory_space<vmem>>, vector<1x1000x128xf32>
    %get3A_14 = vector.shape_cast %get3A_13 : vector<1x1000x128xf32> to vector<1000x128xf32>
    %add3A_15 = arith.addf %add3A, %get3A_14 : vector<1000x128xf32>
    %get3A_16 = arith.constant 0 : index
    %get3A_17 = arith.constant 0 : index
    %get3A_18 = vector.load %arg4[%get3A_16, %get3A_17] : memref<128x128xf32, #tpu.memory_space<vmem>>, vector<128x128xf32>
    %dot_general3A = arith.constant dense<0.000000e+00> : vector<1000x128xf32>
    %dot_general3A_19 = tpu.matmul %add3A_15, %get3A_18, %dot_general3A {dimension_numbers = #tpu.dot_dimension_numbers<[1], [1], [0], [0], [0, 0, 1, 0], [], []>, transpose_lhs_hint = false} : vector<1000x128xf32>, vector<128x128xf32>, vector<1000x128xf32> -> vector<1000x128xf32>
    %get3A_20 = arith.constant 0 : index
    %get3A_21 = vector.load %arg5[%get3A_20] : memref<128xf32, #tpu.memory_space<vmem>>, vector<128xf32>
    %broadcast_in_dim3A = vector.shape_cast %get3A_21 : vector<128xf32> to vector<1x128xf32>
    %add3A_22 = vector.broadcast %broadcast_in_dim3A : vector<1x128xf32> to vector<1000x128xf32>
    %add3A_23 = arith.addf %dot_general3A_19, %add3A_22 : vector<1000x128xf32>
    %swap3A = arith.constant 0 : index
    %swap3A_24 = arith.constant 0 : index
    %swap3A_25 = vector.load %arg6[%swap3A, %swap3A_24] : memref<1000x128xf32, #tpu.memory_space<vmem>>, vector<1000x128xf32>
    tpu.vector_store %arg6[%swap3A, %swap3A_24], %add3A_23 {strides = array<i32>} : memref<1000x128xf32, #tpu.memory_space<vmem>>, vector<1000x128xf32>,
    return
  }
  func.func @transform_0(%arg0: i32) -> i32 {
    %c0_i32 = arith.constant 0 : i32
    %c0_i32_0 = arith.constant 0 : i32
    return %c0_i32 : i32
  }
  func.func @transform_1(%arg0: i32) -> (i32, i32) {
    %c0_i32 = arith.constant 0 : i32
    %c0_i32_0 = arith.constant 0 : i32
    return %arg0, %c0_i32 : i32, i32
  }
  func.func @transform_2(%arg0: i32) -> (i32, i32, i32) {
    %c0_i32 = arith.constant 0 : i32
    %c0_i32_0 = arith.constant 0 : i32
    %c0_i32_1 = arith.constant 0 : i32
    return %c0_i32, %arg0, %c0_i32_0 : i32, i32, i32
  }
  func.func @transform_3(%arg0: i32) -> (i32, i32) {
    %c0_i32 = arith.constant 0 : i32
    %c0_i32_0 = arith.constant 0 : i32
    %c0_i32_1 = arith.constant 0 : i32
    return %c0_i32, %c0_i32_0 : i32, i32
  }
  func.func @transform_4(%arg0: i32) -> i32 {
    %c0_i32 = arith.constant 0 : i32
    %c0_i32_0 = arith.constant 0 : i32
    return %c0_i32 : i32
  }
  func.func @transform_5(%arg0: i32) -> (i32, i32) {
    %c0_i32 = arith.constant 0 : i32
    %c0_i32_0 = arith.constant 0 : i32
    return %arg0, %c0_i32 : i32, i32
  }
}

module attributes {stable_mosaic.version = 14 : i64} {
  func.func @_cmm_body(%arg0: i32, %arg1: memref<1xf32, #tpu.memory_space<smem>>, %arg2: memref<1000x128xf32, #tpu.memory_space<vmem>>, %arg3: memref<2x1000x128xf32, #tpu.memory_space<vmem>>, %arg4: memref<128x128xf32, #tpu.memory_space<vmem>>, %arg5: memref<128xf32, #tpu.memory_space<vmem>>, %arg6: memref<1000x128xf32, #tpu.memory_space<vmem>>) attributes {dimension_semantics = [#tpu.dimension_semantics<arbitrary>], iteration_bounds = array<i64: 10>, scalar_prefetch = 0 : i64, scratch_operands = 0 : i64, tpu.core_type = #tpu.core_type<tc>, window_params = [{transform_indices = @transform_0, window_bounds = array<i64: 1>}, {transform_indices = @transform_1, window_bounds = array<i64: 1000, 128>}, {transform_indices = @transform_2, window_bounds = array<i64: 2, 1000, 128>}, {pipeline_mode = #tpu.pipeline_mode<synchronous>, transform_indices = @transform_3, window_bounds = array<i64: 128, 128>}, {pipeline_mode = #tpu.pipeline_mode<synchronous>, transform_indices = @transform_4, window_bounds = array<i64: 128>}, {transform_indices = @transform_5, window_bounds = array<i64: 1000, 128>}]} {
    %get3A = arith.constant 0 : index
    %get3A_0 = memref.load %arg1[%get3A] : memref<1xf32, #tpu.memory_space<smem>>
    %get3A_1 = arith.constant 0 : index
    %get3A_2 = arith.constant 0 : index
    %get3A_3 = vector.load %arg2[%get3A_1, %get3A_2] : memref<1000x128xf32, #tpu.memory_space<vmem>>, vector<1000x128xf32>
    %mul3A = vector.broadcast %get3A_0 : f32 to vector<1000x128xf32>
    %mul3A_4 = arith.mulf %mul3A, %get3A_3 : vector<1000x128xf32>
    %get3A_5 = arith.constant 0 : index
    %get3A_6 = arith.constant 0 : index
    %get3A_7 = arith.constant 0 : index
    %get3A_8 = vector.load %arg3[%get3A_5, %get3A_6, %get3A_7] : memref<2x1000x128xf32, #tpu.memory_space<vmem>>, vector<1x1000x128xf32>
    %get3A_9 = vector.shape_cast %get3A_8 : vector<1x1000x128xf32> to vector<1000x128xf32>
    %add3A = arith.addf %mul3A_4, %get3A_9 : vector<1000x128xf32>
    %get3A_10 = arith.constant 1 : index
    %get3A_11 = arith.constant 0 : index
    %get3A_12 = arith.constant 0 : index
    %get3A_13 = vector.load %arg3[%get3A_10, %get3A_11, %get3A_12] : memref<2x1000x128xf32, #tpu.memory_space<vmem>>, vector<1x1000x128xf32>
    %get3A_14 = vector.shape_cast %get3A_13 : vector<1x1000x128xf32> to vector<1000x128xf32>
    %add3A_15 = arith.addf %add3A, %get3A_14 : vector<1000x128xf32>
    %get3A_16 = arith.constant 0 : index
    %get3A_17 = arith.constant 0 : index
    %get3A_18 = vector.load %arg4[%get3A_16, %get3A_17] : memref<128x128xf32, #tpu.memory_space<vmem>>, vector<128x128xf32>
    %dot_general3A = arith.constant dense<0.000000e+00> : vector<1000x128xf32>
    %dot_general3A_19 = tpu.matmul %add3A_15, %get3A_18, %dot_general3A {dimension_numbers = #tpu.dot_dimension_numbers<[1], [1], [0], [0], [0, 0, 1, 0], [], []>, transpose_lhs_hint = false} : vector<1000x128xf32>, vector<128x128xf32>, vector<1000x128xf32> -> vector<1000x128xf32>
    %get3A_20 = arith.constant 0 : index
    %get3A_21 = vector.load %arg5[%get3A_20] : memref<128xf32, #tpu.memory_space<vmem>>, vector<128xf32>
    %broadcast_in_dim3A = vector.shape_cast %get3A_21 : vector<128xf32> to vector<1x128xf32>
    %add3A_22 = vector.broadcast %broadcast_in_dim3A : vector<1x128xf32> to vector<1000x128xf32>
    %add3A_23 = arith.addf %dot_general3A_19, %add3A_22 : vector<1000x128xf32>
    %swap3A = arith.constant 0 : index
    %swap3A_24 = arith.constant 0 : index
    %swap3A_25 = vector.load %arg6[%swap3A, %swap3A_24] : memref<1000x128xf32, #tpu.memory_space<vmem>>, vector<1000x128xf32>
    tpu.vector_store %arg6[%swap3A, %swap3A_24], %add3A_23 {strides = array<i32>} : memref<1000x128xf32, #tpu.memory_space<vmem>>, vector<1000x128xf32>,
    return
  }
  func.func @transform_0(%arg0: i32) -> i32 {
    %c0_i32 = arith.constant 0 : i32
    %c0_i32_0 = arith.constant 0 : i32
    return %c0_i32 : i32
  }
  func.func @transform_1(%arg0: i32) -> (i32, i32) {
    %c0_i32 = arith.constant 0 : i32
    %c0_i32_0 = arith.constant 0 : i32
    return %arg0, %c0_i32 : i32, i32
  }
  func.func @transform_2(%arg0: i32) -> (i32, i32, i32) {
    %c0_i32 = arith.constant 0 : i32
    %c0_i32_0 = arith.constant 0 : i32
    %c0_i32_1 = arith.constant 0 : i32
    return %c0_i32, %arg0, %c0_i32_0 : i32, i32, i32
  }
  func.func @transform_3(%arg0: i32) -> (i32, i32) {
    %c0_i32 = arith.constant 0 : i32
    %c0_i32_0 = arith.constant 0 : i32
    %c0_i32_1 = arith.constant 0 : i32
    return %c0_i32, %c0_i32_0 : i32, i32
  }
  func.func @transform_4(%arg0: i32) -> i32 {
    %c0_i32 = arith.constant 0 : i32
    %c0_i32_0 = arith.constant 0 : i32
    return %c0_i32 : i32
  }
  func.func @transform_5(%arg0: i32) -> (i32, i32) {
    %c0_i32 = arith.constant 0 : i32
    %c0_i32_0 = arith.constant 0 : i32
    return %arg0, %c0_i32 : i32, i32
  }
}

</mosaic_0001>

<sc_bundles>
// kernel: kernel.6.cloned.1.call-start
scs
__scs_entry_jumppad:
0x0: {  	(pc) =	sbr.rel $0x88, $3  }
0x1: {  	(tag) =	ssettag $0x0;
	lr =	simm.s32 $0x1  }
0x2: {  	[smem:$0x3F99] =	sst lr;
	_ =	strace $0xD0000000  }
0x3: {  	_ = 	snop  }
0x4: {  	_ = 	snop  }
0x5: {  	_ = 	snop  }
0x6: {  	_ = 	snop  }
0x7: {  	_ = 	snop  }
__scs_overlays_trampoline_lowered:
0x8: {  	[smem:$0x3FA8] =	sst s0  }
0x9: {  	[smem:$0x3FA9] =	sst s1  }
0xa: {  	[smem:$0x3FAA] =	sst s2  }
0xb: {  	[smem:$0x3FAB] =	sst s3  }
0xc: {  	[smem:$0x3FAC] =	sst s4  }
0xd: {  	[smem:$0x3FAD] =	sst s5  }
0xe: {  	[smem:$0x3FAE] =	sst s6  }
0xf: {  	[smem:$0x3FAF] =	sst s7  }
0x10: {  	[smem:$0x3FB0] =	sst s8  }
0x11: {  	[smem:$0x3FB1] =	sst s9;
	s0 =	simm.s32 @!p0 $0x0  }
0x12: {  	s1 =	sld [smem:$0x3F97];
	s0 =	simm.s32 @p0 $0x1  }
0x13: {  	[smem:$0x3FB2] =	sst s0;
	s0 =	simm.s32 @!p1 $0x0  }
0x14: {  	s2 =	sld [smem:$0x3F96];
	s0 =	simm.s32 @p1 $0x1  }
0x15: {  	[smem:$0x3FB3] =	sst s0;
	s0 =	simm.s32 @!p2 $0x0  }
0x16: {  	s3 =	sld [smem:$0x3FDB];
	s0 =	simm.s32 @p2 $0x1  }
0x17: {  	s4 =	simm.s32 $0x1BF5;
	[smem:$0x3FB5] =	sst s0  }
0x18: {  	s0 =	sld [smem:$0x3F98];
	_ =	swait.ge [sflag:s4], $0x0  }
0x19: {  	s7 =	sld [smem:$0x3F99]  }
0x1a: {  	s8 =	sadd.s32 $0xFFFFE003, lr  }
0x1b: {  	s9 =	sadd.s32 $0xFFFFFEF7, lr;
	s5 =	simm.s32 $0xFFFFFFFF;
	p2 =	slt.u32 s8, $0xFFFFF086  }
0x1c: {  	p1 =	slt.u32 s9, $0xF7A;
	s5 =	simm.s32 @!p2 $0x0  }
0x1d: {  	s5 =	simm.s32 @p1 $0x1;
	p0 =	seq.s32 s7, s2  }
0x1e: {  	s7 =	smul.u32 @!p0 $0xF7A, s2;
	p2 =	seq.s32 @!p0 s5, $0x0  }
0x1f: {  	s9 =	smul.u32 $0xF7A, s1;
	s8 =	simm.s32 @!p0 $0x1BF5;
	p2 =	por !p2, p0  }
0x20: {  	[sflag:s8] =	ssyncset.s32 @!p0 $0xFFFFF086;
	s6 =	sadd.s32 @!p0 s3, s7;
	s7 =	simm.s32 @!p0 $0x108  }
0x21: {  	s3 =	sadd.s32 s3, s9;
	s6 =	sadd.s32 @!p0 $0x88, s6;
	s7 =	simm.s32 @p2 $0x1082  }
0x22: {  	[simem:s7], [sflag:s8] =	dma.local @!p0 [hbm:s6], $0xF7A  }
0x23: {  	s9 =	sor.u32 $0xD0000000, s2;
	s6 =	simm.s32 $0x108;
	_ =	swait.ge @!p0 [sflag:s8], $0x0  }
0x24: {  	s3 =	sadd.s32 $0x88, s3;
	s6 =	simm.s32 @!p1 $0x1082;
	[sflag:s4] =	ssyncset.s32 $0xFFFFF086  }
0x25: {  	[simem:s6], [sflag:s4] =	dma.local [hbm:s3], $0xF7A  }
0x26: {  	[smem:$0x3F99] =	sst s1;
	(tag) =	ssettag s2;
	_ =	strace s9  }
0x27: {  	s1 =	sld [smem:$0x3FA9]  }
0x28: {  	s2 =	sld [smem:$0x3FAA]  }
0x29: {  	s4 =	sld [smem:$0x3FAC]  }
0x2a: {  	p0 =	seq.s32 s5, $0x0;
	s5 =	sld [smem:$0x3FAD]  }
0x2b: {  	s6 =	sld [smem:$0x3FAE]  }
0x2c: {  	s7 =	sld [smem:$0x3FAF]  }
0x2d: {  	s3 =	simm.s32 $0x108;
	s8 =	sld [smem:$0x3FB0]  }
0x2e: {  	s3 =	simm.s32 @!p0 $0x1082;
	s9 =	sld [smem:$0x3FB1]  }
0x2f: {  	lr =	sadd.s32 s0, s3;
	s0 =	sld [smem:$0x3FA8]  }
0x30: {  	s3 =	sld [smem:$0x3FAB]  }
0x31: {  	[smem:$0x3FB4] =	sst s10  }
0x32: {  	s10 =	sld [smem:$0x3FB2];
	_ =	sdelay $0x3  }
0x33: {  	p0 =	seq.s32 s10, $0x1;
	s10 =	sld [smem:$0x3FB4];
	_ =	sdelay $0x3  }
0x34: {  	[smem:$0x3FB4] =	sst s10  }
0x35: {  	s10 =	sld [smem:$0x3FB3];
	_ =	sdelay $0x3  }
0x36: {  	p1 =	seq.s32 s10, $0x1;
	s10 =	sld [smem:$0x3FB4];
	_ =	sdelay $0x3  }
0x37: {  	[smem:$0x3FB4] =	sst s10  }
0x38: {  	s10 =	sld [smem:$0x3FB5]  }
0x39: {  	_ = 	snop;
	(pc) =	sbr.ind lr, $3  }
0x3a: {  	_ = 	snop  }
0x3b: {  	_ = 	snop  }
0x3c: {  	p2 =	seq.s32 s10, $0x1;
	s10 =	sld [smem:$0x3FB4]  }
0x3d: {  	_ =	shalt  }
0x3e: {  	_ =	shalt  }
0x3f: {  	_ =	shalt  }
0x40: {  	_ =	shalt  }
0x41: {  	_ =	shalt  }
0x42: {  	_ =	shalt  }
0x43: {  	_ =	shalt  }
0x44: {  	_ =	shalt  }
0x45: {  	_ =	shalt  }
0x46: {  	_ =	shalt  }
0x47: {  	_ =	shalt  }
0x48: {  	_ =	shalt  }
0x49: {  	_ =	shalt  }
0x4a: {  	_ =	shalt  }
0x4b: {  	_ =	shalt  }
0x4c: {  	_ =	shalt  }
0x4d: {  	_ =	shalt  }
0x4e: {  	_ =	shalt  }
0x4f: {  	_ =	shalt  }
0x50: {  	_ =	shalt  }
0x51: {  	_ =	shalt  }
0x52: {  	_ =	shalt  }
0x53: {  	_ =	shalt  }
0x54: {  	_ =	shalt  }
0x55: {  	_ =	shalt  }
0x56: {  	_ =	shalt  }
0x57: {  	_ =	shalt  }
0x58: {  	_ =	shalt  }
0x59: {  	_ =	shalt  }
0x5a: {  	_ =	shalt  }
0x5b: {  	_ =	shalt  }
0x5c: {  	_ =	shalt  }
0x5d: {  	_ =	shalt  }
0x5e: {  	_ =	shalt  }
0x5f: {  	_ =	shalt  }
0x60: {  	_ =	shalt  }
0x61: {  	_ =	shalt  }
0x62: {  	_ =	shalt  }
0x63: {  	_ =	shalt  }
0x64: {  	_ =	shalt  }
0x65: {  	_ =	shalt  }
0x66: {  	_ =	shalt  }
0x67: {  	_ =	shalt  }
0x68: {  	_ =	shalt  }
0x69: {  	_ =	shalt  }
0x6a: {  	_ =	shalt  }
0x6b: {  	_ =	shalt  }
0x6c: {  	_ =	shalt  }
0x6d: {  	_ =	shalt  }
0x6e: {  	_ =	shalt  }
0x6f: {  	_ =	shalt  }
0x70: {  	_ =	shalt  }
0x71: {  	_ =	shalt  }
0x72: {  	_ =	shalt  }
0x73: {  	_ =	shalt  }
0x74: {  	_ =	shalt  }
0x75: {  	_ =	shalt  }
0x76: {  	_ =	shalt  }
0x77: {  	_ =	shalt  }
0x78: {  	_ =	shalt  }
0x79: {  	_ =	shalt  }
0x7a: {  	_ =	shalt  }
0x7b: {  	_ =	shalt  }
0x7c: {  	_ =	shalt  }
0x7d: {  	_ =	shalt  }
0x7e: {  	_ =	shalt  }
0x7f: {  	_ =	shalt  }
0x80: {  	_ =	shalt  }
0x81: {  	_ =	shalt  }
0x82: {  	_ =	shalt  }
0x83: {  	_ =	shalt  }
0x84: {  	_ =	shalt  }
0x85: {  	_ =	shalt  }
0x86: {  	_ =	shalt  }
0x87: {  	_ =	shalt  }
.Lfunc_end0:
.L_simem_size_0:
called_computation_lowered:
.L_overlay_start_0:
0x88: {  	s2 =	sld [smem:$0x3FD9]  }
0x89: {  	s3 =	sld [smem:$0x3FFE];
	_ =	sdelay $0x1  }
0x8a: {  	s1 =	srdreg.scid  }
0x8b: {  	s0 =	sand.u32 $0x1, s1  }
0x8c: {  	s17 =	sshll.u32 s0, $0xA;
	s2 =	sadd.s32 s3, s2  }
0x8d: {  	s2 =	sadd.s32 s2, s17  }
0x8e: {  	[smem:$0x3FC0] =	sst s2  }
0x8f: {  	_ = 	snop  }
0x90: {  	s2 =	sld [smem:$0x3FC9];
	(tm) =	ssettm $0x1  }
0x91: {  	s18 =	sld [smem:$0x3FFB];
	_ =	sdelay $0x3  }
0x92: {  	_ =	strace s18  }
0x93: {  	s3 =	sld [smem:$0x3FFC];
	_ =	sdelay $0x3  }
0x94: {  	_ =	strace s3  }
0x95: {  	s3 =	sld [smem:$0x3FFD];
	_ =	sdelay $0x3  }
0x96: {  	_ =	strace s3  }
0x97: {  	_ =	strace $0x8FFFFFFF  }
0x98: {  	s19 =	sld [smem:$0x3FDB];
	_ =	sdelay $0x1  }
0x99: {  	s4 =	simm.s32 $_scs_section_size  }
0x9a: {  	s5 =	simm.s32 $_size__tile_overlayer_lowered;
	s6 =	simm.s32 $_tile_overlayer_lowered  }
0x9b: {  	s22 =	simm.s32 $0x1BFF;
	s21 =	sshll.u32 s6, $0x1;
	s3 =	sadd.s32 s4, s19  }
0x9c: {  	s7 =	simm.s32 $0x0;
	s20 =	sshll.u32 s5, $0x1;
	s5 =	sadd.s32 s21, s3  }
0x9d: {  	[timem:s7], [sflag:s22] =	dma.local [hbm:s5], s20  }
0x9e: {  	_ =	swait.ge [sflag:s22], s20  }
0x9f: {  	s4 =	ssub.s32 $0x0, s20;
	[sflag:s22] =	ssyncset.done $0x0  }
0xa0: {  	[sflag:s22] =	ssyncadd.s32 s4;
	_ =	sdelay $0x1  }
0xa1: {  	s23 =	simm.s32 $0x1B8B  }
0xa2: {  	_ =	swait.ge [sflag:s23], $0x1  }
0xa3: {  	[sflag:s23] =	ssyncset.done $0x0  }
0xa4: {  	s25 =	simm.s32 $0x1B8E;
	s24 =	sld [smem:$0x3FFE];
	[sflag:s23] =	ssyncadd.s32 $0xFFFFFFFF  }
0xa5: {  	s26 =	simm.s32 $execute0_lowered;
	[smem:$0x3FD2] =	sst s25  }
0xa6: {  	s5 =	sshll.u32 s26, $0x1;
	_ =	strace $0x80000046;
	[dreg:$0x1] =	wrdreg $0xFFFFFFFF  }
0xa7: {  	s28 =	simm.s32 $_size_execute0_lowered;
	s3 =	sadd.s32 s3, s5;
	[dreg:$0x0] =	wrdreg $0x0  }
0xa8: {  	s5 =	sshll.u32 s28, $0x1;
	[dreg:$0x2] =	wrdreg s3  }
0xa9: {  	[dreg:$0x3] =	wrdreg s5  }
0xaa: {  	[dreg:$0x4] =	wrdreg $0xC0  }
0xab: {  	_ =	task [dreg:s7], $0x5FFFF  }
0xac: {  	[dreg:$0x1] =	wrdreg $0xFFFFFFFF  }
0xad: {  	[dreg:$0x0] =	wrdreg $0x60  }
0xae: {  	[dreg:$0x2] =	wrdreg s2  }
0xaf: {  	[dreg:$0x3] =	wrdreg s24  }
0xb0: {  	[dreg:$0x4] =	wrdreg $0x0  }
0xb1: {  	[dreg:$0x5] =	wrdreg $0x9  }
0xb2: {  	_ =	task.clear_ibuf [dreg:s7], $0x6FFFF;
	_ =	strace $0x90000046  }
0xb3: {  	s29 =	simm.s32 $0x9;
	_ =	strace $0x80000048  }
0xb4: {  	_ =	swait.ge [sflag:s29], $0x1  }
0xb5: {  	[sflag:s29] =	ssyncadd.s32 $0xFFFFFFFF  }
0xb6: {  	_ =	strace $0x90000048  }
0xb7: {  	_ =	sfence  }
0xb8: {  	s30 =	sld [smem:$0x0];
	_ =	sdelay $0x2  }
0xb9: {  	s31 =	sshll.u32 s1, $0xD;
	s1 =	sshrl.u32 s1, $0x2  }
0xba: {  	s3 =	sand.u32 $0x4000, s31;
	s1 =	sadd.s32 s1, s30  }
0xbb: {  	s0 =	sor.u32 s3, s0;
	s1 =	sshll.u32 s1, $0x11  }
0xbc: {  	s0 =	sor.u32 s1, s0  }
0xbd: {  	s0 =	sadd.s32 $0x8F2B, s0  }
0xbe: {  	[sflag:s0] =	ssyncadd.remote.s32 $0x1  }
0xbf: {  	_ =	sfence.sel $0xFFFF  }
0xc0: {  	[dreg:$0x0] =	wrdreg $0xFFFFFFFF;
	(pc) =	sbr.abs _section_cstart, $3  }
0xc1: {  	[dreg:$0x1] =	wrdreg $0xFFFFFFFF  }
0xc2: {  	_ =	task.clear_ibuf [dreg:s7], $0x2FFFF;
	_ =	strace $0x9FFFFFFF  }
0xc3: {  	(tm) =	ssettm $0x7FFFFFFF  }
tec
execute0_lowered:
.L_overlay_start_1:
0x0: {  	(tag) =	ssettag $0x1  }
0x1: {  	s0 =	srdreg.scid;
	s1 =	rddreg [dreg:$0x0]  }
0x2: {  	s2 =	rddreg [dreg:$0x1];
	s8 =	stileid.u32  }
0x3: {  	s3 =	rddreg [dreg:$0x2];
	s5 =	simm.s32 $0x0;
	s19 =	simm.s32 $0x13880  }
0x4: {  	s20 =	simm.s32 $0x16000;
	s21 =	simm.s32 $0x18780;
	s22 =	simm.s32 $0x8  }
0x5: {  	s29 =	simm.s32 $0x1D780;
	s30 =	simm.s32 $0x1;
	s31 =	simm.s32 $0x2  }
0x6: {  	s28 =	simm.s32 $0x6;
	s0 =	sand.u32 $0x1, s0;
	s23 =	smul.u32 $0x4E000, s8  }
0x7: {  	[smem:$0x7FF] =	sst s5;
	s26 =	smul.u32 $0x13800, s8;
	s15 =	sadd.s32 $0x138000, s3  }
0x8: {  	p0 =	sne.s32 s8, $0xF;
	s4 =	sshll.u32 s0, $0x4;
	_ =	strace $0x80000047  }
0x9: {  	s6 =	ssub.s32 $0x2, s0;
	s0 =	smul.u32 $0x138800, s0;
	s4 =	sor.u32 s8, s4  }
0xa: {  	s7 =	sshrl.u32 s6, $0x1;
	s5 =	sshrl.u32 s23, $0x2;
	s23 =	simm.s32 $0x7  }
0xb: {  	s4 =	smul.u32 $0x4E2, s4;
	s7 =	ssub.s32 s6, s7;
	s6 =	sadd.s32 s5, s3  }
0xc: {  	s25 =	sadd.s32 $0x2800, s6;
	s9 =	sadd.s32 $0x5000, s6;
	s10 =	sadd.s32 $0x7800, s6  }
0xd: {  	s11 =	sadd.s32 $0xA000, s6;
	s12 =	sadd.s32 $0xC800, s6;
	s13 =	sadd.s32 $0xF000, s6  }
0xe: {  	s14 =	sadd.s32 $0x11800, s6;
	s18 =	smax.u32 s7, $0x1;
	s4 =	sadd.s32 s4, s2  }
0xf: {  	s2 =	sadd.s32 $0x15400, s2;
	[dreg:$0x6] =	wrdreg s25;
	s24 =	sadd.s32 $0xB600, s4  }
0x10: {  	s25 =	simm.s32 $0x5;
	s4 =	sadd.s32 $0x1800, s4;
	[dreg:$0x4] =	wrdreg s24  }
0x11: {  	[dreg:$0x5] =	wrdreg s4;
	s4 =	sadd.s32 s26, s0;
	s0 =	sshrl.u32 s0, $0x3  }
0x12: {  	s24 =	simm.s32 $0x50;
	s4 =	sshrl.u32 s4, $0x3;
	s0 =	sadd.s32 s2, s0  }
0x13: {  	s26 =	simm.s32 $0x1AF80;
	s16 =	sadd.s32 s2, s4;
	s17 =	sadd.s32 $0x27000, s0  }
0x14: {  	v0 =	vimm.f32 $0.0e+00;
	s2 =	simm.s32 $0x4;
	s0 =	simm.s32 $0x3;
	s4 =	simm.s32 $0x0  }
.LBB2_1:
0x15: {  	s5 =	simm.s32 $0x0;
	s7 =	rddreg [dreg:$0x4]  }
0x16: {  	[tilespmem:s19], [sflag:$0x7] =	stream.linear.gather [hbm4b:s7+s5], $0x2710, $0x38;
	[tilespmem:$0x1FF80] =	vst v63  }
0x17: {  	s8 =	rddreg [dreg:$0x5]  }
0x18: {  	[tilespmem:s20], [sflag:$0x7] =	stream.linear.gather [hbm4b:s8+s5], $0x2710, $0x38;
	[tilespmem:$0x1FF80] =	vst v63  }
0x19: {  	s7 =	simm.s32 $0x200;
	s5 =	simm.s32 $0x0  }
.LBB2_2:
0x1a: {  	p1 =	sne.s32 s7, $0x9E00;
	[tilespmem:s5+$0x187F0] =	vst v0  }
0x1b: {  	[tilespmem:s5+$0x18780] =	vst v0  }
0x1c: {  	[tilespmem:s5+$0x18790] =	vst v0  }
.Ltmp0:
0x1d: {  	[tilespmem:s5+$0x187A0] =	vst v0;
	(pc) =	sbr.rel @p1 .LBB2_2-.Ltmp0, $4  }
0x1e: {  	[tilespmem:s5+$0x187B0] =	vst v0  }
0x1f: {  	[tilespmem:s5+$0x187C0] =	vst v0  }
0x20: {  	[tilespmem:s5+$0x187D0] =	vst v0  }
0x21: {  	[tilespmem:s5+$0x187E0] =	vst v0;
	s5 =	sshra.s32 s7, $0x2;
	s7 =	sadd.s32 $0x200, s7  }
0x22: {  	[tilespmem:s5+$0x187F0] =	vst v0  }
0x23: {  	[tilespmem:s5+$0x18780] =	vst v0  }
0x24: {  	[tilespmem:s5+$0x18790] =	vst v0  }
0x25: {  	[tilespmem:s5+$0x187A0] =	vst v0  }
0x26: {  	[tilespmem:s5+$0x187B0] =	vst v0  }
0x27: {  	[tilespmem:s5+$0x187C0] =	vst v0  }
0x28: {  	[tilespmem:s5+$0x187D0] =	vst v0  }
0x29: {  	[tilespmem:s5+$0x187E0] =	vst v0  }
0x2a: {  	[spmem:s6] =	stream.linear.scatter [tilespmem:s21], [sflag:$0x8], $0x2800, $0x38;
	[tilespmem:$0x1FF80] =	vst v63  }
0x2b: {  	_ =	swait.ge [sflag:s22], $0x2800  }
0x2c: {  	[sflag:s22] =	ssyncset.done $0x0  }
0x2d: {  	s7 =	rddreg [dreg:$0x6];
	[sflag:s22] =	ssyncadd.s32 $0xFFFFD800  }
0x2e: {  	[spmem:s7] =	stream.linear.scatter [tilespmem:s21], [sflag:$0x8], $0x2800, $0x38;
	[tilespmem:$0x1FF80] =	vst v63  }
0x2f: {  	_ =	swait.ge [sflag:s22], $0x2800  }
0x30: {  	[sflag:s22] =	ssyncset.done $0x0  }
0x31: {  	[sflag:s22] =	ssyncadd.s32 $0xFFFFD800  }
0x32: {  	[spmem:s9] =	stream.linear.scatter [tilespmem:s21], [sflag:$0x8], $0x2800, $0x38;
	[tilespmem:$0x1FF80] =	vst v63  }
0x33: {  	_ =	swait.ge [sflag:s22], $0x2800  }
0x34: {  	[sflag:s22] =	ssyncset.done $0x0  }
0x35: {  	[sflag:s22] =	ssyncadd.s32 $0xFFFFD800  }
0x36: {  	[spmem:s10] =	stream.linear.scatter [tilespmem:s21], [sflag:$0x8], $0x2800, $0x38;
	[tilespmem:$0x1FF80] =	vst v63  }
0x37: {  	_ =	swait.ge [sflag:s22], $0x2800  }
0x38: {  	[sflag:s22] =	ssyncset.done $0x0  }
0x39: {  	[sflag:s22] =	ssyncadd.s32 $0xFFFFD800  }
0x3a: {  	[spmem:s11] =	stream.linear.scatter [tilespmem:s21], [sflag:$0x8], $0x2800, $0x38;
	[tilespmem:$0x1FF80] =	vst v63  }
0x3b: {  	_ =	swait.ge [sflag:s22], $0x2800  }
0x3c: {  	[sflag:s22] =	ssyncset.done $0x0  }
0x3d: {  	[sflag:s22] =	ssyncadd.s32 $0xFFFFD800  }
0x3e: {  	[spmem:s12] =	stream.linear.scatter [tilespmem:s21], [sflag:$0x8], $0x2800, $0x38;
	[tilespmem:$0x1FF80] =	vst v63  }
0x3f: {  	_ =	swait.ge [sflag:s22], $0x2800  }
0x40: {  	[sflag:s22] =	ssyncset.done $0x0  }
0x41: {  	[sflag:s22] =	ssyncadd.s32 $0xFFFFD800  }
0x42: {  	[spmem:s13] =	stream.linear.scatter [tilespmem:s21], [sflag:$0x8], $0x2800, $0x38;
	[tilespmem:$0x1FF80] =	vst v63  }
0x43: {  	_ =	swait.ge [sflag:s22], $0x2800  }
0x44: {  	[sflag:s22] =	ssyncset.done $0x0  }
0x45: {  	[sflag:s22] =	ssyncadd.s32 $0xFFFFD800  }
0x46: {  	[spmem:s14] =	stream.linear.scatter [tilespmem:s21], [sflag:$0x8], $0x2000, $0x38;
	[tilespmem:$0x1FF80] =	vst v63  }
0x47: {  	_ =	swait.ge [sflag:s22], $0x2000  }
0x48: {  	[sflag:s22] =	ssyncset.done $0x0  }
0x49: {  	s5 =	simm.s32 @!p0 $0x18780;
	[sflag:s22] =	ssyncadd.s32 $0xFFFFE000  }
0x4a: {  	[spmem:s15] =	stream.linear.scatter @!p0 [tilespmem:s5], [sflag:$0x8], $0x800, $0x38;
	[tilespmem:$0x1FF80] =	vst v63  }
0x4b: {  	s5 =	simm.s32 @!p0 $0x8  }
0x4c: {  	_ =	swait.ge @!p0 [sflag:s5], $0x800  }
0x4d: {  	[sflag:s5] =	ssyncset.done @!p0 $0x0  }
0x4e: {  	[sflag:s5] =	ssyncadd.s32 @!p0 $0xFFFFF800  }
0x4f: {  	_ =	swait.ge [sflag:s23], $0x2710  }
0x50: {  	[sflag:s23] =	ssyncset.done $0x0  }
0x51: {  	[sflag:s23] =	ssyncadd.s32 $0xFFFFD8F0  }
0x52: {  	[tilespmem:s21], [sflag:$0x1] =	stream.indirect.gather [hbm4b:s1+s24], $0x80, s19, s24, $0xb8;
	[tilespmem:$0x1FF80] =	vst v63  }
0x53: {  	s8 =	simm.s32 $0x138D0  }
0x54: {  	[tilespmem:s26], [sflag:$0x2] =	stream.indirect.gather [hbm4b:s1+s24], $0x80, s8, s24, $0xb8;
	[tilespmem:$0x1FF80] =	vst v63  }
0x55: {  	s7 =	simm.s32 $0x13920  }
0x56: {  	[tilespmem:s29], [sflag:$0x3] =	stream.indirect.gather [hbm4b:s1+s24], $0x80, s7, s24, $0xb8;
	[tilespmem:$0x1FF80] =	vst v63  }
0x57: {  	_ =	swait.ge [sflag:s23], $0x2710  }
0x58: {  	[sflag:s23] =	ssyncset.done $0x0  }
0x59: {  	[sflag:s23] =	ssyncadd.s32 $0xFFFFD8F0  }
0x5a: {  	[bflag:$0x0] =	sbarrier.arrive $0xFFFF  }
0x5b: {  	_ =	swait.ge [sflag:s30], $0x2800  }
0x5c: {  	[sflag:s30] =	ssyncset.done $0x0  }
0x5d: {  	[sflag:s30] =	ssyncadd.s32 $0xFFFFD800  }
0x5e: {  	[spmem:s3] =	stream.indirect.scatter.add.f32 [tilespmem:s21], [sflag:$0x4], $0x80, s20, s24, $0xb8;
	[tilespmem:$0x1FF80] =	vst v63  }
0x5f: {  	_ =	swait.ge [sflag:s31], $0x2800  }
0x60: {  	[sflag:s31] =	ssyncset.done $0x0  }
0x61: {  	s8 =	simm.s32 $0x16050;
	[sflag:s31] =	ssyncadd.s32 $0xFFFFD800  }
0x62: {  	[spmem:s3] =	stream.indirect.scatter.add.f32 [tilespmem:s26], [sflag:$0x5], $0x80, s8, s24, $0xb8;
	[tilespmem:$0x1FF80] =	vst v63  }
0x63: {  	_ =	swait.ge [sflag:s2], $0x2800  }
0x64: {  	[sflag:s2] =	ssyncset.done $0x0  }
0x65: {  	s7 =	simm.s32 $0x13970;
	[sflag:s2] =	ssyncadd.s32 $0xFFFFD800  }
0x66: {  	[tilespmem:s21], [sflag:$0x1] =	stream.indirect.gather [hbm4b:s1+s24], $0x80, s7, s24, $0xb8;
	[tilespmem:$0x1FF80] =	vst v63  }
0x67: {  	_ =	swait.ge [sflag:s0], $0x2800  }
0x68: {  	[sflag:s0] =	ssyncset.done $0x0  }
0x69: {  	s8 =	simm.s32 $0x160A0;
	[sflag:s0] =	ssyncadd.s32 $0xFFFFD800  }
0x6a: {  	[spmem:s3] =	stream.indirect.scatter.add.f32 [tilespmem:s29], [sflag:$0x6], $0x80, s8, s24, $0xb8;
	[tilespmem:$0x1FF80] =	vst v63  }
0x6b: {  	_ =	swait.ge [sflag:s25], $0x2800  }
0x6c: {  	[sflag:s25] =	ssyncset.done $0x0  }
0x6d: {  	s7 =	simm.s32 $0x139C0;
	[sflag:s25] =	ssyncadd.s32 $0xFFFFD800  }
0x6e: {  	[tilespmem:s26], [sflag:$0x2] =	stream.indirect.gather [hbm4b:s1+s24], $0x80, s7, s24, $0xb8;
	[tilespmem:$0x1FF80] =	vst v63  }
0x6f: {  	_ =	swait.ge [sflag:s30], $0x2800  }
0x70: {  	[sflag:s30] =	ssyncset.done $0x0  }
0x71: {  	s8 =	simm.s32 $0x160F0;
	[sflag:s30] =	ssyncadd.s32 $0xFFFFD800  }
0x72: {  	[spmem:s3] =	stream.indirect.scatter.add.f32 [tilespmem:s21], [sflag:$0x4], $0x80, s8, s24, $0xb8;
	[tilespmem:$0x1FF80] =	vst v63  }
0x73: {  	_ =	swait.ge [sflag:s28], $0x2800  }
0x74: {  	[sflag:s28] =	ssyncset.done $0x0  }
0x75: {  	s5 =	simm.s32 $0x3C0;
	s7 =	simm.s32 $0x13A10;
	[sflag:s28] =	ssyncadd.s32 $0xFFFFD800  }
.LBB2_4:
0x76: {  	[tilespmem:s29], [sflag:$0x3] =	stream.indirect.gather [hbm4b:s1+s24], $0x80, s7, s24, $0xb8;
	[tilespmem:$0x1FF80] =	vst v63  }
0x77: {  	s7 =	smov.u32 s5  }
0x78: {  	p1 =	sne.s32 s5, $0x9240;
	s5 =	sadd.s32 $0x3C0, s5;
	_ =	swait.ge [sflag:s31], $0x2800  }
0x79: {  	s7 =	sshra.s32 s7, $0x2;
	[sflag:s31] =	ssyncset.done $0x0  }
0x7a: {  	s8 =	sadd.s32 $0x16050, s7;
	[sflag:s31] =	ssyncadd.s32 $0xFFFFD800  }
0x7b: {  	[spmem:s3] =	stream.indirect.scatter.add.f32 [tilespmem:s26], [sflag:$0x5], $0x80, s8, s24, $0xb8;
	[tilespmem:$0x1FF80] =	vst v63  }
0x7c: {  	_ =	swait.ge [sflag:s2], $0x2800  }
0x7d: {  	[sflag:s2] =	ssyncset.done $0x0  }
0x7e: {  	s8 =	sadd.s32 $0x13970, s7;
	[sflag:s2] =	ssyncadd.s32 $0xFFFFD800  }
0x7f: {  	[tilespmem:s21], [sflag:$0x1] =	stream.indirect.gather [hbm4b:s1+s24], $0x80, s8, s24, $0xb8;
	[tilespmem:$0x1FF80] =	vst v63  }
0x80: {  	_ =	swait.ge [sflag:s0], $0x2800  }
0x81: {  	[sflag:s0] =	ssyncset.done $0x0  }
0x82: {  	s8 =	sadd.s32 $0x160A0, s7;
	[sflag:s0] =	ssyncadd.s32 $0xFFFFD800  }
0x83: {  	[spmem:s3] =	stream.indirect.scatter.add.f32 [tilespmem:s29], [sflag:$0x6], $0x80, s8, s24, $0xb8;
	[tilespmem:$0x1FF80] =	vst v63  }
0x84: {  	_ =	swait.ge [sflag:s25], $0x2800  }
0x85: {  	[sflag:s25] =	ssyncset.done $0x0  }
0x86: {  	s8 =	sadd.s32 $0x139C0, s7;
	[sflag:s25] =	ssyncadd.s32 $0xFFFFD800  }
0x87: {  	[tilespmem:s26], [sflag:$0x2] =	stream.indirect.gather [hbm4b:s1+s24], $0x80, s8, s24, $0xb8;
	[tilespmem:$0x1FF80] =	vst v63  }
0x88: {  	_ =	swait.ge [sflag:s30], $0x2800  }
0x89: {  	[sflag:s30] =	ssyncset.done $0x0  }
.Ltmp1:
0x8a: {  	s8 =	sadd.s32 $0x160F0, s7;
	[sflag:s30] =	ssyncadd.s32 $0xFFFFD800;
	(pc) =	sbr.rel @p1 .LBB2_4-.Ltmp1, $4  }
0x8b: {  	[spmem:s3] =	stream.indirect.scatter.add.f32 [tilespmem:s21], [sflag:$0x4], $0x80, s8, s24, $0xb8;
	[tilespmem:$0x1FF80] =	vst v63  }
0x8c: {  	_ =	swait.ge [sflag:s28], $0x2800  }
0x8d: {  	[sflag:s28] =	ssyncset.done $0x0  }
0x8e: {  	s7 =	sadd.s32 $0x13A10, s7;
	[sflag:s28] =	ssyncadd.s32 $0xFFFFD800  }
0x8f: {  	[tilespmem:s29], [sflag:$0x3] =	stream.indirect.gather [hbm4b:s1+s24], $0x80, s7, s24, $0xb8;
	[tilespmem:$0x1FF80] =	vst v63  }
0x90: {  	_ =	swait.ge [sflag:s31], $0x2800  }
0x91: {  	[sflag:s31] =	ssyncset.done $0x0  }
0x92: {  	s5 =	simm.s32 $0x185D0;
	[sflag:s31] =	ssyncadd.s32 $0xFFFFD800  }
0x93: {  	[spmem:s3] =	stream.indirect.scatter.add.f32 [tilespmem:s26], [sflag:$0x5], $0x80, s5, s24, $0xb8;
	[tilespmem:$0x1FF80] =	vst v63  }
0x94: {  	_ =	swait.ge [sflag:s2], $0x2800  }
0x95: {  	[sflag:s2] =	ssyncset.done $0x0  }
0x96: {  	s8 =	simm.s32 $0x15EF0;
	[sflag:s2] =	ssyncadd.s32 $0xFFFFD800  }
0x97: {  	[tilespmem:s21], [sflag:$0x1] =	stream.indirect.gather [hbm4b:s1+s24], $0x80, s8, s24, $0xb8;
	[tilespmem:$0x1FF80] =	vst v63  }
0x98: {  	_ =	swait.ge [sflag:s0], $0x2800  }
0x99: {  	[sflag:s0] =	ssyncset.done $0x0  }
0x9a: {  	s7 =	simm.s32 $0x18620;
	[sflag:s0] =	ssyncadd.s32 $0xFFFFD800  }
0x9b: {  	[spmem:s3] =	stream.indirect.scatter.add.f32 [tilespmem:s29], [sflag:$0x6], $0x80, s7, s24, $0xb8;
	[tilespmem:$0x1FF80] =	vst v63  }
0x9c: {  	_ =	swait.ge [sflag:s25], $0x2800  }
0x9d: {  	[sflag:s25] =	ssyncset.done $0x0  }
0x9e: {  	s8 =	simm.s32 $0x15F40;
	[sflag:s25] =	ssyncadd.s32 $0xFFFFD800  }
0x9f: {  	[tilespmem:s26], [sflag:$0x2] =	stream.indirect.gather [hbm4b:s1+s24], $0x80, s8, s24, $0xb8;
	[tilespmem:$0x1FF80] =	vst v63  }
0xa0: {  	_ =	swait.ge [sflag:s30], $0x2800  }
0xa1: {  	[sflag:s30] =	ssyncset.done $0x0  }
0xa2: {  	s7 =	simm.s32 $0x18670;
	[sflag:s30] =	ssyncadd.s32 $0xFFFFD800  }
0xa3: {  	[spmem:s3] =	stream.indirect.scatter.add.f32 [tilespmem:s21], [sflag:$0x4], $0x80, s7, s24, $0xb8;
	[tilespmem:$0x1FF80] =	vst v63  }
0xa4: {  	_ =	swait.ge [sflag:s28], $0x2800  }
0xa5: {  	[sflag:s28] =	ssyncset.done $0x0  }
0xa6: {  	[sflag:s28] =	ssyncadd.s32 $0xFFFFD800  }
0xa7: {  	_ =	swait.ge [sflag:s31], $0x2800  }
0xa8: {  	[sflag:s31] =	ssyncset.done $0x0  }
0xa9: {  	s8 =	simm.s32 $0x186C0;
	[sflag:s31] =	ssyncadd.s32 $0xFFFFD800  }
0xaa: {  	[spmem:s3] =	stream.indirect.scatter.add.f32 [tilespmem:s26], [sflag:$0x5], $0x80, s8, s24, $0xb8;
	[tilespmem:$0x1FF80] =	vst v63  }
0xab: {  	_ =	swait.ge [sflag:s2], $0x2800  }
0xac: {  	[sflag:s2] =	ssyncset.done $0x0  }
0xad: {  	[sflag:s2] =	ssyncadd.s32 $0xFFFFD800  }
0xae: {  	_ =	swait.ge [sflag:s25], $0x2800  }
0xaf: {  	s7 =	stileid.u32;
	[sflag:s25] =	ssyncset.done $0x0  }
0xb0: {  	s5 =	sshll.u32 s7, $0x6;
	[sflag:s25] =	ssyncadd.s32 $0xFFFFD800  }
0xb1: {  	s5 =	sor.u32 $0x1C08, s5;
	s8 =	sshrl.u32 s6, $0x3;
	[bflag:$0x0] =	sbarrier.arrive $0xFFFF  }
0xb2: {  	[hbm:s16], [sflag:s5] =	dma.local [spmem:s8], $0x2700  }
0xb3: {  	_ =	swait.ge [sflag:s22], $0x2700  }
0xb4: {  	s4 =	sadd.s32 $0x1, s4;
	[sflag:s22] =	ssyncset.done $0x0  }
0xb5: {  	p1 =	sne.s32 s4, s18;
	s7 =	sshrl.u32 @!p0 s15, $0x3;
	[sflag:s22] =	ssyncadd.s32 $0xFFFFD900  }
0xb6: {  	[hbm:s17], [sflag:s5] =	dma.local @!p0 [spmem:s7], $0x100  }
.Ltmp2:
0xb7: {  	_ = 	snop;
	(pc) =	sbr.rel @p1 .LBB2_1-.Ltmp2, $4  }
0xb8: {  	s5 =	simm.s32 @!p0 $0x8  }
0xb9: {  	_ =	swait.ge @!p0 [sflag:s5], $0x100  }
0xba: {  	[sflag:s5] =	ssyncset.done @!p0 $0x0  }
0xbb: {  	[sflag:s5] =	ssyncadd.s32 @!p0 $0xFFFFFF00  }
0xbc: {  	_ =	sfence.sel $0x180000  }
0xbd: {  	[bflag:$0x0] =	sbarrier.arrive $0xFFFF  }
0xbe: {  	_ =	strace $0x90000047  }
0xbf: {  	s0 =	stileid.u32;
	[bflag:$0x2] =	sbarrier.arrive $0xFFFF  }
0xc0: {  	p0 =	sne.s32 s0, $0x0;
	s0 =	rddreg [dreg:$0x3]  }
0xc1: {  	s0 =	sadd.s32 @!p0 $0x100000, s0  }
0xc2: {  	[sflag:s0] =	ssyncadd.tile.s32 @!p0 $0x1;
	_ =	shalt  }
.Lfunc_end2:
_tile_overlayer_lowered:
.L_overlay_start_2:
0xc3: {  	(tag) =	ssettag $0x2  }
0xc4: {  	s0 =	rddreg [dreg:$0x0];
	s2 =	stileid.u32  }
0xc5: {  	s1 =	rddreg [dreg:$0x1];
	p0 =	sne.s32 s2, $0x0  }
0xc6: {  	s3 =	rddreg [dreg:$0x2];
	[bflag:$0x3] =	sbarrier.arrive $0xFFFF;
	s2 =	simm.s32 @!p0 $0x1C08  }
0xc7: {  	[timem:s3], [sflag:s2] =	dma.local @!p0 [hbm:s0], s1  }
0xc8: {  	s0 =	simm.s32 @!p0 $0x8  }
0xc9: {  	_ =	swait.ge @!p0 [sflag:s0], s1  }
0xca: {  	s1 =	ssub.s32 @!p0 $0x0, s1;
	[sflag:s0] =	ssyncset.done @!p0 $0x0  }
0xcb: {  	[sflag:s0] =	ssyncadd.s32 @!p0 s1  }
0xcc: {  	[bflag:$0x3] =	sbarrier.arrive $0xFFFF  }
0xcd: {  	_ =	shalt  }

// kernel: kernel.9.cloned.1.call-start
scs
__scs_entry_jumppad:
0x0: {  	(pc) =	sbr.rel $0x88, $3  }
0x1: {  	(tag) =	ssettag $0x0;
	lr =	simm.s32 $0x1  }
0x2: {  	[smem:$0x3F99] =	sst lr;
	_ =	strace $0xD0000000  }
0x3: {  	_ = 	snop  }
0x4: {  	_ = 	snop  }
0x5: {  	_ = 	snop  }
0x6: {  	_ = 	snop  }
0x7: {  	_ = 	snop  }
__scs_overlays_trampoline_lowered:
0x8: {  	[smem:$0x3FA8] =	sst s0  }
0x9: {  	[smem:$0x3FA9] =	sst s1  }
0xa: {  	[smem:$0x3FAA] =	sst s2  }
0xb: {  	[smem:$0x3FAB] =	sst s3  }
0xc: {  	[smem:$0x3FAC] =	sst s4  }
0xd: {  	[smem:$0x3FAD] =	sst s5  }
0xe: {  	[smem:$0x3FAE] =	sst s6  }
0xf: {  	[smem:$0x3FAF] =	sst s7  }
0x10: {  	[smem:$0x3FB0] =	sst s8  }
0x11: {  	[smem:$0x3FB1] =	sst s9;
	s0 =	simm.s32 @!p0 $0x0  }
0x12: {  	s1 =	sld [smem:$0x3F97];
	s0 =	simm.s32 @p0 $0x1  }
0x13: {  	[smem:$0x3FB2] =	sst s0;
	s0 =	simm.s32 @!p1 $0x0  }
0x14: {  	s2 =	sld [smem:$0x3F96];
	s0 =	simm.s32 @p1 $0x1  }
0x15: {  	[smem:$0x3FB3] =	sst s0;
	s0 =	simm.s32 @!p2 $0x0  }
0x16: {  	s3 =	sld [smem:$0x3FDB];
	s0 =	simm.s32 @p2 $0x1  }
0x17: {  	s4 =	simm.s32 $0x1BF5;
	[smem:$0x3FB5] =	sst s0  }
0x18: {  	s0 =	sld [smem:$0x3F98];
	_ =	swait.ge [sflag:s4], $0x0  }
0x19: {  	s7 =	sld [smem:$0x3F99]  }
0x1a: {  	s8 =	sadd.s32 $0xFFFFE003, lr  }
0x1b: {  	s9 =	sadd.s32 $0xFFFFFEF7, lr;
	s5 =	simm.s32 $0xFFFFFFFF;
	p2 =	slt.u32 s8, $0xFFFFF086  }
0x1c: {  	p1 =	slt.u32 s9, $0xF7A;
	s5 =	simm.s32 @!p2 $0x0  }
0x1d: {  	s5 =	simm.s32 @p1 $0x1;
	p0 =	seq.s32 s7, s2  }
0x1e: {  	s7 =	smul.u32 @!p0 $0xF7A, s2;
	p2 =	seq.s32 @!p0 s5, $0x0  }
0x1f: {  	s9 =	smul.u32 $0xF7A, s1;
	s8 =	simm.s32 @!p0 $0x1BF5;
	p2 =	por !p2, p0  }
0x20: {  	[sflag:s8] =	ssyncset.s32 @!p0 $0xFFFFF086;
	s6 =	sadd.s32 @!p0 s3, s7;
	s7 =	simm.s32 @!p0 $0x108  }
0x21: {  	s3 =	sadd.s32 s3, s9;
	s6 =	sadd.s32 @!p0 $0x88, s6;
	s7 =	simm.s32 @p2 $0x1082  }
0x22: {  	[simem:s7], [sflag:s8] =	dma.local @!p0 [hbm:s6], $0xF7A  }
0x23: {  	s9 =	sor.u32 $0xD0000000, s2;
	s6 =	simm.s32 $0x108;
	_ =	swait.ge @!p0 [sflag:s8], $0x0  }
0x24: {  	s3 =	sadd.s32 $0x88, s3;
	s6 =	simm.s32 @!p1 $0x1082;
	[sflag:s4] =	ssyncset.s32 $0xFFFFF086  }
0x25: {  	[simem:s6], [sflag:s4] =	dma.local [hbm:s3], $0xF7A  }
0x26: {  	[smem:$0x3F99] =	sst s1;
	(tag) =	ssettag s2;
	_ =	strace s9  }
0x27: {  	s1 =	sld [smem:$0x3FA9]  }
0x28: {  	s2 =	sld [smem:$0x3FAA]  }
0x29: {  	s4 =	sld [smem:$0x3FAC]  }
0x2a: {  	p0 =	seq.s32 s5, $0x0;
	s5 =	sld [smem:$0x3FAD]  }
0x2b: {  	s6 =	sld [smem:$0x3FAE]  }
0x2c: {  	s7 =	sld [smem:$0x3FAF]  }
0x2d: {  	s3 =	simm.s32 $0x108;
	s8 =	sld [smem:$0x3FB0]  }
0x2e: {  	s3 =	simm.s32 @!p0 $0x1082;
	s9 =	sld [smem:$0x3FB1]  }
0x2f: {  	lr =	sadd.s32 s0, s3;
	s0 =	sld [smem:$0x3FA8]  }
0x30: {  	s3 =	sld [smem:$0x3FAB]  }
0x31: {  	[smem:$0x3FB4] =	sst s10  }
0x32: {  	s10 =	sld [smem:$0x3FB2];
	_ =	sdelay $0x3  }
0x33: {  	p0 =	seq.s32 s10, $0x1;
	s10 =	sld [smem:$0x3FB4];
	_ =	sdelay $0x3  }
0x34: {  	[smem:$0x3FB4] =	sst s10  }
0x35: {  	s10 =	sld [smem:$0x3FB3];
	_ =	sdelay $0x3  }
0x36: {  	p1 =	seq.s32 s10, $0x1;
	s10 =	sld [smem:$0x3FB4];
	_ =	sdelay $0x3  }
0x37: {  	[smem:$0x3FB4] =	sst s10  }
0x38: {  	s10 =	sld [smem:$0x3FB5]  }
0x39: {  	_ = 	snop;
	(pc) =	sbr.ind lr, $3  }
0x3a: {  	_ = 	snop  }
0x3b: {  	_ = 	snop  }
0x3c: {  	p2 =	seq.s32 s10, $0x1;
	s10 =	sld [smem:$0x3FB4]  }
0x3d: {  	_ =	shalt  }
0x3e: {  	_ =	shalt  }
0x3f: {  	_ =	shalt  }
0x40: {  	_ =	shalt  }
0x41: {  	_ =	shalt  }
0x42: {  	_ =	shalt  }
0x43: {  	_ =	shalt  }
0x44: {  	_ =	shalt  }
0x45: {  	_ =	shalt  }
0x46: {  	_ =	shalt  }
0x47: {  	_ =	shalt  }
0x48: {  	_ =	shalt  }
0x49: {  	_ =	shalt  }
0x4a: {  	_ =	shalt  }
0x4b: {  	_ =	shalt  }
0x4c: {  	_ =	shalt  }
0x4d: {  	_ =	shalt  }
0x4e: {  	_ =	shalt  }
0x4f: {  	_ =	shalt  }
0x50: {  	_ =	shalt  }
0x51: {  	_ =	shalt  }
0x52: {  	_ =	shalt  }
0x53: {  	_ =	shalt  }
0x54: {  	_ =	shalt  }
0x55: {  	_ =	shalt  }
0x56: {  	_ =	shalt  }
0x57: {  	_ =	shalt  }
0x58: {  	_ =	shalt  }
0x59: {  	_ =	shalt  }
0x5a: {  	_ =	shalt  }
0x5b: {  	_ =	shalt  }
0x5c: {  	_ =	shalt  }
0x5d: {  	_ =	shalt  }
0x5e: {  	_ =	shalt  }
0x5f: {  	_ =	shalt  }
0x60: {  	_ =	shalt  }
0x61: {  	_ =	shalt  }
0x62: {  	_ =	shalt  }
0x63: {  	_ =	shalt  }
0x64: {  	_ =	shalt  }
0x65: {  	_ =	shalt  }
0x66: {  	_ =	shalt  }
0x67: {  	_ =	shalt  }
0x68: {  	_ =	shalt  }
0x69: {  	_ =	shalt  }
0x6a: {  	_ =	shalt  }
0x6b: {  	_ =	shalt  }
0x6c: {  	_ =	shalt  }
0x6d: {  	_ =	shalt  }
0x6e: {  	_ =	shalt  }
0x6f: {  	_ =	shalt  }
0x70: {  	_ =	shalt  }
0x71: {  	_ =	shalt  }
0x72: {  	_ =	shalt  }
0x73: {  	_ =	shalt  }
0x74: {  	_ =	shalt  }
0x75: {  	_ =	shalt  }
0x76: {  	_ =	shalt  }
0x77: {  	_ =	shalt  }
0x78: {  	_ =	shalt  }
0x79: {  	_ =	shalt  }
0x7a: {  	_ =	shalt  }
0x7b: {  	_ =	shalt  }
0x7c: {  	_ =	shalt  }
0x7d: {  	_ =	shalt  }
0x7e: {  	_ =	shalt  }
0x7f: {  	_ =	shalt  }
0x80: {  	_ =	shalt  }
0x81: {  	_ =	shalt  }
0x82: {  	_ =	shalt  }
0x83: {  	_ =	shalt  }
0x84: {  	_ =	shalt  }
0x85: {  	_ =	shalt  }
0x86: {  	_ =	shalt  }
0x87: {  	_ =	shalt  }
.Lfunc_end0:
.L_simem_size_0:
called_computation.1_lowered:
.L_overlay_start_0:
0x88: {  	s2 =	sld [smem:$0x3FD9]  }
0x89: {  	s3 =	sld [smem:$0x3FFE];
	_ =	sdelay $0x1  }
0x8a: {  	s1 =	srdreg.scid  }
0x8b: {  	s0 =	sand.u32 $0x1, s1  }
0x8c: {  	s17 =	sshll.u32 s0, $0xA;
	s2 =	sadd.s32 s3, s2  }
0x8d: {  	s2 =	sadd.s32 s2, s17  }
0x8e: {  	[smem:$0x3FC0] =	sst s2  }
0x8f: {  	_ = 	snop  }
0x90: {  	s2 =	sld [smem:$0x3FD0];
	(tm) =	ssettm $0x1  }
0x91: {  	s18 =	sld [smem:$0x3FFB];
	_ =	sdelay $0x3  }
0x92: {  	_ =	strace s18  }
0x93: {  	s3 =	sld [smem:$0x3FFC];
	_ =	sdelay $0x3  }
0x94: {  	_ =	strace s3  }
0x95: {  	s3 =	sld [smem:$0x3FFD];
	_ =	sdelay $0x3  }
0x96: {  	_ =	strace s3  }
0x97: {  	_ =	strace $0x8FFFFFFF  }
0x98: {  	s19 =	sld [smem:$0x3FDB];
	_ =	sdelay $0x1  }
0x99: {  	s4 =	simm.s32 $_scs_section_size  }
0x9a: {  	s5 =	simm.s32 $_size__tile_overlayer_lowered;
	s6 =	simm.s32 $_tile_overlayer_lowered  }
0x9b: {  	s22 =	simm.s32 $0x1BFF;
	s21 =	sshll.u32 s6, $0x1;
	s3 =	sadd.s32 s4, s19  }
0x9c: {  	s7 =	simm.s32 $0x0;
	s20 =	sshll.u32 s5, $0x1;
	s5 =	sadd.s32 s21, s3  }
0x9d: {  	[timem:s7], [sflag:s22] =	dma.local [hbm:s5], s20  }
0x9e: {  	_ =	swait.ge [sflag:s22], s20  }
0x9f: {  	s4 =	ssub.s32 $0x0, s20;
	[sflag:s22] =	ssyncset.done $0x0  }
0xa0: {  	[sflag:s22] =	ssyncadd.s32 s4;
	_ =	sdelay $0x1  }
0xa1: {  	s23 =	simm.s32 $0x1B8B  }
0xa2: {  	_ =	swait.ge [sflag:s23], $0x1  }
0xa3: {  	[sflag:s23] =	ssyncset.done $0x0  }
0xa4: {  	s25 =	simm.s32 $0x1B8E;
	s24 =	sld [smem:$0x3FFE];
	[sflag:s23] =	ssyncadd.s32 $0xFFFFFFFF  }
0xa5: {  	s26 =	simm.s32 $execute0_lowered;
	[smem:$0x3FD2] =	sst s25  }
0xa6: {  	s5 =	sshll.u32 s26, $0x1;
	_ =	strace $0x80000049;
	[dreg:$0x1] =	wrdreg $0xFFFFFFFF  }
0xa7: {  	s28 =	simm.s32 $_size_execute0_lowered;
	s3 =	sadd.s32 s3, s5;
	[dreg:$0x0] =	wrdreg $0x0  }
0xa8: {  	s5 =	sshll.u32 s28, $0x1;
	[dreg:$0x2] =	wrdreg s3  }
0xa9: {  	[dreg:$0x3] =	wrdreg s5  }
0xaa: {  	[dreg:$0x4] =	wrdreg $0xC0  }
0xab: {  	_ =	task [dreg:s7], $0x5FFFF  }
0xac: {  	[dreg:$0x1] =	wrdreg $0xFFFFFFFF  }
0xad: {  	[dreg:$0x0] =	wrdreg $0x60  }
0xae: {  	[dreg:$0x2] =	wrdreg s2  }
0xaf: {  	[dreg:$0x3] =	wrdreg s24  }
0xb0: {  	[dreg:$0x4] =	wrdreg $0x0  }
0xb1: {  	[dreg:$0x5] =	wrdreg $0x9  }
0xb2: {  	_ =	task.clear_ibuf [dreg:s7], $0x6FFFF;
	_ =	strace $0x90000049  }
0xb3: {  	s29 =	simm.s32 $0x9;
	_ =	strace $0x8000004B  }
0xb4: {  	_ =	swait.ge [sflag:s29], $0x1  }
0xb5: {  	[sflag:s29] =	ssyncadd.s32 $0xFFFFFFFF  }
0xb6: {  	_ =	strace $0x9000004B  }
0xb7: {  	_ =	sfence  }
0xb8: {  	s30 =	sld [smem:$0x0];
	_ =	sdelay $0x2  }
0xb9: {  	s31 =	sshll.u32 s1, $0xD;
	s1 =	sshrl.u32 s1, $0x2  }
0xba: {  	s3 =	sand.u32 $0x4000, s31;
	s1 =	sadd.s32 s1, s30  }
0xbb: {  	s0 =	sor.u32 s3, s0;
	s1 =	sshll.u32 s1, $0x11  }
0xbc: {  	s0 =	sor.u32 s1, s0  }
0xbd: {  	s0 =	sadd.s32 $0x8F2B, s0  }
0xbe: {  	[sflag:s0] =	ssyncadd.remote.s32 $0x1  }
0xbf: {  	_ =	sfence.sel $0xFFFF  }
0xc0: {  	[dreg:$0x0] =	wrdreg $0xFFFFFFFF;
	(pc) =	sbr.abs _section_cstart, $3  }
0xc1: {  	[dreg:$0x1] =	wrdreg $0xFFFFFFFF  }
0xc2: {  	_ =	task.clear_ibuf [dreg:s7], $0x2FFFF;
	_ =	strace $0x9FFFFFFF  }
0xc3: {  	(tm) =	ssettm $0x7FFFFFFF  }
tec
execute0_lowered:
.L_overlay_start_1:
0x0: {  	(tag) =	ssettag $0x1  }
0x1: {  	s0 =	srdreg.scid;
	s1 =	rddreg [dreg:$0x0]  }
0x2: {  	s2 =	rddreg [dreg:$0x1];
	s8 =	stileid.u32  }
0x3: {  	s3 =	rddreg [dreg:$0x2];
	s5 =	simm.s32 $0x0;
	s19 =	simm.s32 $0x13880  }
0x4: {  	s20 =	simm.s32 $0x16000;
	s21 =	simm.s32 $0x18780;
	s22 =	simm.s32 $0x8  }
0x5: {  	s29 =	simm.s32 $0x1D780;
	s30 =	simm.s32 $0x1;
	s31 =	simm.s32 $0x2  }
0x6: {  	s28 =	simm.s32 $0x6;
	s0 =	sand.u32 $0x1, s0;
	s23 =	smul.u32 $0x4E000, s8  }
0x7: {  	[smem:$0x7FF] =	sst s5;
	s26 =	smul.u32 $0x13800, s8;
	s15 =	sadd.s32 $0x138000, s3  }
0x8: {  	p0 =	sne.s32 s8, $0xF;
	s4 =	sshll.u32 s0, $0x4;
	_ =	strace $0x8000004A  }
0x9: {  	s6 =	ssub.s32 $0x2, s0;
	s0 =	smul.u32 $0x138800, s0;
	s4 =	sor.u32 s8, s4  }
0xa: {  	s7 =	sshrl.u32 s6, $0x1;
	s5 =	sshrl.u32 s23, $0x2;
	s23 =	simm.s32 $0x7  }
0xb: {  	s4 =	smul.u32 $0x4E2, s4;
	s7 =	ssub.s32 s6, s7;
	s6 =	sadd.s32 s5, s3  }
0xc: {  	s25 =	sadd.s32 $0x2800, s6;
	s9 =	sadd.s32 $0x5000, s6;
	s10 =	sadd.s32 $0x7800, s6  }
0xd: {  	s11 =	sadd.s32 $0xA000, s6;
	s12 =	sadd.s32 $0xC800, s6;
	s13 =	sadd.s32 $0xF000, s6  }
0xe: {  	s14 =	sadd.s32 $0x11800, s6;
	s18 =	smax.u32 s7, $0x1;
	s4 =	sadd.s32 s4, s2  }
0xf: {  	s2 =	sadd.s32 $0x15400, s2;
	[dreg:$0x6] =	wrdreg s25;
	s24 =	sadd.s32 $0xB600, s4  }
0x10: {  	s25 =	simm.s32 $0x5;
	s4 =	sadd.s32 $0x1800, s4;
	[dreg:$0x4] =	wrdreg s24  }
0x11: {  	[dreg:$0x5] =	wrdreg s4;
	s4 =	sadd.s32 s26, s0;
	s0 =	sshrl.u32 s0, $0x3  }
0x12: {  	s24 =	simm.s32 $0x50;
	s4 =	sshrl.u32 s4, $0x3;
	s0 =	sadd.s32 s2, s0  }
0x13: {  	s26 =	simm.s32 $0x1AF80;
	s16 =	sadd.s32 s2, s4;
	s17 =	sadd.s32 $0x27000, s0  }
0x14: {  	v0 =	vimm.f32 $0.0e+00;
	s2 =	simm.s32 $0x4;
	s0 =	simm.s32 $0x3;
	s4 =	simm.s32 $0x0  }
.LBB2_1:
0x15: {  	s5 =	simm.s32 $0x0;
	s7 =	rddreg [dreg:$0x4]  }
0x16: {  	[tilespmem:s19], [sflag:$0x7] =	stream.linear.gather [hbm4b:s7+s5], $0x2710, $0x38;
	[tilespmem:$0x1FF80] =	vst v63  }
0x17: {  	s8 =	rddreg [dreg:$0x5]  }
0x18: {  	[tilespmem:s20], [sflag:$0x7] =	stream.linear.gather [hbm4b:s8+s5], $0x2710, $0x38;
	[tilespmem:$0x1FF80] =	vst v63  }
0x19: {  	s7 =	simm.s32 $0x200;
	s5 =	simm.s32 $0x0  }
.LBB2_2:
0x1a: {  	p1 =	sne.s32 s7, $0x9E00;
	[tilespmem:s5+$0x187F0] =	vst v0  }
0x1b: {  	[tilespmem:s5+$0x18780] =	vst v0  }
0x1c: {  	[tilespmem:s5+$0x18790] =	vst v0  }
.Ltmp0:
0x1d: {  	[tilespmem:s5+$0x187A0] =	vst v0;
	(pc) =	sbr.rel @p1 .LBB2_2-.Ltmp0, $4  }
0x1e: {  	[tilespmem:s5+$0x187B0] =	vst v0  }
0x1f: {  	[tilespmem:s5+$0x187C0] =	vst v0  }
0x20: {  	[tilespmem:s5+$0x187D0] =	vst v0  }
0x21: {  	[tilespmem:s5+$0x187E0] =	vst v0;
	s5 =	sshra.s32 s7, $0x2;
	s7 =	sadd.s32 $0x200, s7  }
0x22: {  	[tilespmem:s5+$0x187F0] =	vst v0  }
0x23: {  	[tilespmem:s5+$0x18780] =	vst v0  }
0x24: {  	[tilespmem:s5+$0x18790] =	vst v0  }
0x25: {  	[tilespmem:s5+$0x187A0] =	vst v0  }
0x26: {  	[tilespmem:s5+$0x187B0] =	vst v0  }
0x27: {  	[tilespmem:s5+$0x187C0] =	vst v0  }
0x28: {  	[tilespmem:s5+$0x187D0] =	vst v0  }
0x29: {  	[tilespmem:s5+$0x187E0] =	vst v0  }
0x2a: {  	[spmem:s6] =	stream.linear.scatter [tilespmem:s21], [sflag:$0x8], $0x2800, $0x38;
	[tilespmem:$0x1FF80] =	vst v63  }
0x2b: {  	_ =	swait.ge [sflag:s22], $0x2800  }
0x2c: {  	[sflag:s22] =	ssyncset.done $0x0  }
0x2d: {  	s7 =	rddreg [dreg:$0x6];
	[sflag:s22] =	ssyncadd.s32 $0xFFFFD800  }
0x2e: {  	[spmem:s7] =	stream.linear.scatter [tilespmem:s21], [sflag:$0x8], $0x2800, $0x38;
	[tilespmem:$0x1FF80] =	vst v63  }
0x2f: {  	_ =	swait.ge [sflag:s22], $0x2800  }
0x30: {  	[sflag:s22] =	ssyncset.done $0x0  }
0x31: {  	[sflag:s22] =	ssyncadd.s32 $0xFFFFD800  }
0x32: {  	[spmem:s9] =	stream.linear.scatter [tilespmem:s21], [sflag:$0x8], $0x2800, $0x38;
	[tilespmem:$0x1FF80] =	vst v63  }
0x33: {  	_ =	swait.ge [sflag:s22], $0x2800  }
0x34: {  	[sflag:s22] =	ssyncset.done $0x0  }
0x35: {  	[sflag:s22] =	ssyncadd.s32 $0xFFFFD800  }
0x36: {  	[spmem:s10] =	stream.linear.scatter [tilespmem:s21], [sflag:$0x8], $0x2800, $0x38;
	[tilespmem:$0x1FF80] =	vst v63  }
0x37: {  	_ =	swait.ge [sflag:s22], $0x2800  }
0x38: {  	[sflag:s22] =	ssyncset.done $0x0  }
0x39: {  	[sflag:s22] =	ssyncadd.s32 $0xFFFFD800  }
0x3a: {  	[spmem:s11] =	stream.linear.scatter [tilespmem:s21], [sflag:$0x8], $0x2800, $0x38;
	[tilespmem:$0x1FF80] =	vst v63  }
0x3b: {  	_ =	swait.ge [sflag:s22], $0x2800  }
0x3c: {  	[sflag:s22] =	ssyncset.done $0x0  }
0x3d: {  	[sflag:s22] =	ssyncadd.s32 $0xFFFFD800  }
0x3e: {  	[spmem:s12] =	stream.linear.scatter [tilespmem:s21], [sflag:$0x8], $0x2800, $0x38;
	[tilespmem:$0x1FF80] =	vst v63  }
0x3f: {  	_ =	swait.ge [sflag:s22], $0x2800  }
0x40: {  	[sflag:s22] =	ssyncset.done $0x0  }
0x41: {  	[sflag:s22] =	ssyncadd.s32 $0xFFFFD800  }
0x42: {  	[spmem:s13] =	stream.linear.scatter [tilespmem:s21], [sflag:$0x8], $0x2800, $0x38;
	[tilespmem:$0x1FF80] =	vst v63  }
0x43: {  	_ =	swait.ge [sflag:s22], $0x2800  }
0x44: {  	[sflag:s22] =	ssyncset.done $0x0  }
0x45: {  	[sflag:s22] =	ssyncadd.s32 $0xFFFFD800  }
0x46: {  	[spmem:s14] =	stream.linear.scatter [tilespmem:s21], [sflag:$0x8], $0x2000, $0x38;
	[tilespmem:$0x1FF80] =	vst v63  }
0x47: {  	_ =	swait.ge [sflag:s22], $0x2000  }
0x48: {  	[sflag:s22] =	ssyncset.done $0x0  }
0x49: {  	s5 =	simm.s32 @!p0 $0x18780;
	[sflag:s22] =	ssyncadd.s32 $0xFFFFE000  }
0x4a: {  	[spmem:s15] =	stream.linear.scatter @!p0 [tilespmem:s5], [sflag:$0x8], $0x800, $0x38;
	[tilespmem:$0x1FF80] =	vst v63  }
0x4b: {  	s5 =	simm.s32 @!p0 $0x8  }
0x4c: {  	_ =	swait.ge @!p0 [sflag:s5], $0x800  }
0x4d: {  	[sflag:s5] =	ssyncset.done @!p0 $0x0  }
0x4e: {  	[sflag:s5] =	ssyncadd.s32 @!p0 $0xFFFFF800  }
0x4f: {  	_ =	swait.ge [sflag:s23], $0x2710  }
0x50: {  	[sflag:s23] =	ssyncset.done $0x0  }
0x51: {  	[sflag:s23] =	ssyncadd.s32 $0xFFFFD8F0  }
0x52: {  	[tilespmem:s21], [sflag:$0x1] =	stream.indirect.gather [hbm4b:s1+s24], $0x80, s19, s24, $0xb8;
	[tilespmem:$0x1FF80] =	vst v63  }
0x53: {  	s8 =	simm.s32 $0x138D0  }
0x54: {  	[tilespmem:s26], [sflag:$0x2] =	stream.indirect.gather [hbm4b:s1+s24], $0x80, s8, s24, $0xb8;
	[tilespmem:$0x1FF80] =	vst v63  }
0x55: {  	s7 =	simm.s32 $0x13920  }
0x56: {  	[tilespmem:s29], [sflag:$0x3] =	stream.indirect.gather [hbm4b:s1+s24], $0x80, s7, s24, $0xb8;
	[tilespmem:$0x1FF80] =	vst v63  }
0x57: {  	_ =	swait.ge [sflag:s23], $0x2710  }
0x58: {  	[sflag:s23] =	ssyncset.done $0x0  }
0x59: {  	[sflag:s23] =	ssyncadd.s32 $0xFFFFD8F0  }
0x5a: {  	[bflag:$0x0] =	sbarrier.arrive $0xFFFF  }
0x5b: {  	_ =	swait.ge [sflag:s30], $0x2800  }
0x5c: {  	[sflag:s30] =	ssyncset.done $0x0  }
0x5d: {  	[sflag:s30] =	ssyncadd.s32 $0xFFFFD800  }
0x5e: {  	[spmem:s3] =	stream.indirect.scatter.add.f32 [tilespmem:s21], [sflag:$0x4], $0x80, s20, s24, $0xb8;
	[tilespmem:$0x1FF80] =	vst v63  }
0x5f: {  	_ =	swait.ge [sflag:s31], $0x2800  }
0x60: {  	[sflag:s31] =	ssyncset.done $0x0  }
0x61: {  	s8 =	simm.s32 $0x16050;
	[sflag:s31] =	ssyncadd.s32 $0xFFFFD800  }
0x62: {  	[spmem:s3] =	stream.indirect.scatter.add.f32 [tilespmem:s26], [sflag:$0x5], $0x80, s8, s24, $0xb8;
	[tilespmem:$0x1FF80] =	vst v63  }
0x63: {  	_ =	swait.ge [sflag:s2], $0x2800  }
0x64: {  	[sflag:s2] =	ssyncset.done $0x0  }
0x65: {  	s7 =	simm.s32 $0x13970;
	[sflag:s2] =	ssyncadd.s32 $0xFFFFD800  }
0x66: {  	[tilespmem:s21], [sflag:$0x1] =	stream.indirect.gather [hbm4b:s1+s24], $0x80, s7, s24, $0xb8;
	[tilespmem:$0x1FF80] =	vst v63  }
0x67: {  	_ =	swait.ge [sflag:s0], $0x2800  }
0x68: {  	[sflag:s0] =	ssyncset.done $0x0  }
0x69: {  	s8 =	simm.s32 $0x160A0;
	[sflag:s0] =	ssyncadd.s32 $0xFFFFD800  }
0x6a: {  	[spmem:s3] =	stream.indirect.scatter.add.f32 [tilespmem:s29], [sflag:$0x6], $0x80, s8, s24, $0xb8;
	[tilespmem:$0x1FF80] =	vst v63  }
0x6b: {  	_ =	swait.ge [sflag:s25], $0x2800  }
0x6c: {  	[sflag:s25] =	ssyncset.done $0x0  }
0x6d: {  	s7 =	simm.s32 $0x139C0;
	[sflag:s25] =	ssyncadd.s32 $0xFFFFD800  }
0x6e: {  	[tilespmem:s26], [sflag:$0x2] =	stream.indirect.gather [hbm4b:s1+s24], $0x80, s7, s24, $0xb8;
	[tilespmem:$0x1FF80] =	vst v63  }
0x6f: {  	_ =	swait.ge [sflag:s30], $0x2800  }
0x70: {  	[sflag:s30] =	ssyncset.done $0x0  }
0x71: {  	s8 =	simm.s32 $0x160F0;
	[sflag:s30] =	ssyncadd.s32 $0xFFFFD800  }
0x72: {  	[spmem:s3] =	stream.indirect.scatter.add.f32 [tilespmem:s21], [sflag:$0x4], $0x80, s8, s24, $0xb8;
	[tilespmem:$0x1FF80] =	vst v63  }
0x73: {  	_ =	swait.ge [sflag:s28], $0x2800  }
0x74: {  	[sflag:s28] =	ssyncset.done $0x0  }
0x75: {  	s5 =	simm.s32 $0x3C0;
	s7 =	simm.s32 $0x13A10;
	[sflag:s28] =	ssyncadd.s32 $0xFFFFD800  }
.LBB2_4:
0x76: {  	[tilespmem:s29], [sflag:$0x3] =	stream.indirect.gather [hbm4b:s1+s24], $0x80, s7, s24, $0xb8;
	[tilespmem:$0x1FF80] =	vst v63  }
0x77: {  	s7 =	smov.u32 s5  }
0x78: {  	p1 =	sne.s32 s5, $0x9240;
	s5 =	sadd.s32 $0x3C0, s5;
	_ =	swait.ge [sflag:s31], $0x2800  }
0x79: {  	s7 =	sshra.s32 s7, $0x2;
	[sflag:s31] =	ssyncset.done $0x0  }
0x7a: {  	s8 =	sadd.s32 $0x16050, s7;
	[sflag:s31] =	ssyncadd.s32 $0xFFFFD800  }
0x7b: {  	[spmem:s3] =	stream.indirect.scatter.add.f32 [tilespmem:s26], [sflag:$0x5], $0x80, s8, s24, $0xb8;
	[tilespmem:$0x1FF80] =	vst v63  }
0x7c: {  	_ =	swait.ge [sflag:s2], $0x2800  }
0x7d: {  	[sflag:s2] =	ssyncset.done $0x0  }
0x7e: {  	s8 =	sadd.s32 $0x13970, s7;
	[sflag:s2] =	ssyncadd.s32 $0xFFFFD800  }
0x7f: {  	[tilespmem:s21], [sflag:$0x1] =	stream.indirect.gather [hbm4b:s1+s24], $0x80, s8, s24, $0xb8;
	[tilespmem:$0x1FF80] =	vst v63  }
0x80: {  	_ =	swait.ge [sflag:s0], $0x2800  }
0x81: {  	[sflag:s0] =	ssyncset.done $0x0  }
0x82: {  	s8 =	sadd.s32 $0x160A0, s7;
	[sflag:s0] =	ssyncadd.s32 $0xFFFFD800  }
0x83: {  	[spmem:s3] =	stream.indirect.scatter.add.f32 [tilespmem:s29], [sflag:$0x6], $0x80, s8, s24, $0xb8;
	[tilespmem:$0x1FF80] =	vst v63  }
0x84: {  	_ =	swait.ge [sflag:s25], $0x2800  }
0x85: {  	[sflag:s25] =	ssyncset.done $0x0  }
0x86: {  	s8 =	sadd.s32 $0x139C0, s7;
	[sflag:s25] =	ssyncadd.s32 $0xFFFFD800  }
0x87: {  	[tilespmem:s26], [sflag:$0x2] =	stream.indirect.gather [hbm4b:s1+s24], $0x80, s8, s24, $0xb8;
	[tilespmem:$0x1FF80] =	vst v63  }
0x88: {  	_ =	swait.ge [sflag:s30], $0x2800  }
0x89: {  	[sflag:s30] =	ssyncset.done $0x0  }
.Ltmp1:
0x8a: {  	s8 =	sadd.s32 $0x160F0, s7;
	[sflag:s30] =	ssyncadd.s32 $0xFFFFD800;
	(pc) =	sbr.rel @p1 .LBB2_4-.Ltmp1, $4  }
0x8b: {  	[spmem:s3] =	stream.indirect.scatter.add.f32 [tilespmem:s21], [sflag:$0x4], $0x80, s8, s24, $0xb8;
	[tilespmem:$0x1FF80] =	vst v63  }
0x8c: {  	_ =	swait.ge [sflag:s28], $0x2800  }
0x8d: {  	[sflag:s28] =	ssyncset.done $0x0  }
0x8e: {  	s7 =	sadd.s32 $0x13A10, s7;
	[sflag:s28] =	ssyncadd.s32 $0xFFFFD800  }
0x8f: {  	[tilespmem:s29], [sflag:$0x3] =	stream.indirect.gather [hbm4b:s1+s24], $0x80, s7, s24, $0xb8;
	[tilespmem:$0x1FF80] =	vst v63  }
0x90: {  	_ =	swait.ge [sflag:s31], $0x2800  }
0x91: {  	[sflag:s31] =	ssyncset.done $0x0  }
0x92: {  	s5 =	simm.s32 $0x185D0;
	[sflag:s31] =	ssyncadd.s32 $0xFFFFD800  }
0x93: {  	[spmem:s3] =	stream.indirect.scatter.add.f32 [tilespmem:s26], [sflag:$0x5], $0x80, s5, s24, $0xb8;
	[tilespmem:$0x1FF80] =	vst v63  }
0x94: {  	_ =	swait.ge [sflag:s2], $0x2800  }
0x95: {  	[sflag:s2] =	ssyncset.done $0x0  }
0x96: {  	s8 =	simm.s32 $0x15EF0;
	[sflag:s2] =	ssyncadd.s32 $0xFFFFD800  }
0x97: {  	[tilespmem:s21], [sflag:$0x1] =	stream.indirect.gather [hbm4b:s1+s24], $0x80, s8, s24, $0xb8;
	[tilespmem:$0x1FF80] =	vst v63  }
0x98: {  	_ =	swait.ge [sflag:s0], $0x2800  }
0x99: {  	[sflag:s0] =	ssyncset.done $0x0  }
0x9a: {  	s7 =	simm.s32 $0x18620;
	[sflag:s0] =	ssyncadd.s32 $0xFFFFD800  }
0x9b: {  	[spmem:s3] =	stream.indirect.scatter.add.f32 [tilespmem:s29], [sflag:$0x6], $0x80, s7, s24, $0xb8;
	[tilespmem:$0x1FF80] =	vst v63  }
0x9c: {  	_ =	swait.ge [sflag:s25], $0x2800  }
0x9d: {  	[sflag:s25] =	ssyncset.done $0x0  }
0x9e: {  	s8 =	simm.s32 $0x15F40;
	[sflag:s25] =	ssyncadd.s32 $0xFFFFD800  }
0x9f: {  	[tilespmem:s26], [sflag:$0x2] =	stream.indirect.gather [hbm4b:s1+s24], $0x80, s8, s24, $0xb8;
	[tilespmem:$0x1FF80] =	vst v63  }
0xa0: {  	_ =	swait.ge [sflag:s30], $0x2800  }
0xa1: {  	[sflag:s30] =	ssyncset.done $0x0  }
0xa2: {  	s7 =	simm.s32 $0x18670;
	[sflag:s30] =	ssyncadd.s32 $0xFFFFD800  }
0xa3: {  	[spmem:s3] =	stream.indirect.scatter.add.f32 [tilespmem:s21], [sflag:$0x4], $0x80, s7, s24, $0xb8;
	[tilespmem:$0x1FF80] =	vst v63  }
0xa4: {  	_ =	swait.ge [sflag:s28], $0x2800  }
0xa5: {  	[sflag:s28] =	ssyncset.done $0x0  }
0xa6: {  	[sflag:s28] =	ssyncadd.s32 $0xFFFFD800  }
0xa7: {  	_ =	swait.ge [sflag:s31], $0x2800  }
0xa8: {  	[sflag:s31] =	ssyncset.done $0x0  }
0xa9: {  	s8 =	simm.s32 $0x186C0;
	[sflag:s31] =	ssyncadd.s32 $0xFFFFD800  }
0xaa: {  	[spmem:s3] =	stream.indirect.scatter.add.f32 [tilespmem:s26], [sflag:$0x5], $0x80, s8, s24, $0xb8;
	[tilespmem:$0x1FF80] =	vst v63  }
0xab: {  	_ =	swait.ge [sflag:s2], $0x2800  }
0xac: {  	[sflag:s2] =	ssyncset.done $0x0  }
0xad: {  	[sflag:s2] =	ssyncadd.s32 $0xFFFFD800  }
0xae: {  	_ =	swait.ge [sflag:s25], $0x2800  }
0xaf: {  	s7 =	stileid.u32;
	[sflag:s25] =	ssyncset.done $0x0  }
0xb0: {  	s5 =	sshll.u32 s7, $0x6;
	[sflag:s25] =	ssyncadd.s32 $0xFFFFD800  }
0xb1: {  	s5 =	sor.u32 $0x1C08, s5;
	s8 =	sshrl.u32 s6, $0x3;
	[bflag:$0x0] =	sbarrier.arrive $0xFFFF  }
0xb2: {  	[hbm:s16], [sflag:s5] =	dma.local [spmem:s8], $0x2700  }
0xb3: {  	_ =	swait.ge [sflag:s22], $0x2700  }
0xb4: {  	s4 =	sadd.s32 $0x1, s4;
	[sflag:s22] =	ssyncset.done $0x0  }
0xb5: {  	p1 =	sne.s32 s4, s18;
	s7 =	sshrl.u32 @!p0 s15, $0x3;
	[sflag:s22] =	ssyncadd.s32 $0xFFFFD900  }
0xb6: {  	[hbm:s17], [sflag:s5] =	dma.local @!p0 [spmem:s7], $0x100  }
.Ltmp2:
0xb7: {  	_ = 	snop;
	(pc) =	sbr.rel @p1 .LBB2_1-.Ltmp2, $4  }
0xb8: {  	s5 =	simm.s32 @!p0 $0x8  }
0xb9: {  	_ =	swait.ge @!p0 [sflag:s5], $0x100  }
0xba: {  	[sflag:s5] =	ssyncset.done @!p0 $0x0  }
0xbb: {  	[sflag:s5] =	ssyncadd.s32 @!p0 $0xFFFFFF00  }
0xbc: {  	_ =	sfence.sel $0x180000  }
0xbd: {  	[bflag:$0x0] =	sbarrier.arrive $0xFFFF  }
0xbe: {  	_ =	strace $0x9000004A  }
0xbf: {  	s0 =	stileid.u32;
	[bflag:$0x2] =	sbarrier.arrive $0xFFFF  }
0xc0: {  	p0 =	sne.s32 s0, $0x0;
	s0 =	rddreg [dreg:$0x3]  }
0xc1: {  	s0 =	sadd.s32 @!p0 $0x100000, s0  }
0xc2: {  	[sflag:s0] =	ssyncadd.tile.s32 @!p0 $0x1;
	_ =	shalt  }
.Lfunc_end2:
_tile_overlayer_lowered:
.L_overlay_start_2:
0xc3: {  	(tag) =	ssettag $0x2  }
0xc4: {  	s0 =	rddreg [dreg:$0x0];
	s2 =	stileid.u32  }
0xc5: {  	s1 =	rddreg [dreg:$0x1];
	p0 =	sne.s32 s2, $0x0  }
0xc6: {  	s3 =	rddreg [dreg:$0x2];
	[bflag:$0x3] =	sbarrier.arrive $0xFFFF;
	s2 =	simm.s32 @!p0 $0x1C08  }
0xc7: {  	[timem:s3], [sflag:s2] =	dma.local @!p0 [hbm:s0], s1  }
0xc8: {  	s0 =	simm.s32 @!p0 $0x8  }
0xc9: {  	_ =	swait.ge @!p0 [sflag:s0], s1  }
0xca: {  	s1 =	ssub.s32 @!p0 $0x0, s1;
	[sflag:s0] =	ssyncset.done @!p0 $0x0  }
0xcb: {  	[sflag:s0] =	ssyncadd.s32 @!p0 s1  }
0xcc: {  	[bflag:$0x3] =	sbarrier.arrive $0xFFFF  }
0xcd: {  	_ =	shalt  }

</sc_bundles>
